<compile_context>
chip_gen: v7x
topology: tpu7x:2x2x1
jax: 0.10.2.dev20260603
libtpu: 0.0.44.dev20260713+nightly
codegen_flags: <defaults>
</compile_context>

<pallas_src>
import functools

import jax
import jax.numpy as jnp
from jax import lax
from jax.experimental import pallas as pl
from jax.experimental.pallas import tpu as pltpu
from jax.experimental.pallas import tpu_sc as plsc

_NC = 2
_NS = 16
_NW = _NC * _NS
_L = 16

_C = 16


def kernel(feat, batch_ids, glob_feat):
    n = feat.shape[0]
    b, d = glob_feat.shape
    idx = batch_ids.astype(jnp.int32)
    glob_flat = glob_feat.reshape(-1)

    num_chunks = -(-n // _C)
    trips = -(-num_chunks // _NW)
    span = trips * _C
    idx_base_max = n - span
    ncg = d // _L
    n_search = max(1, (span - 1).bit_length())

    mesh = plsc.VectorSubcoreMesh(
        core_axis_name="c", subcore_axis_name="s",
        num_cores=_NC, num_subcores=_NS,
    )

    @functools.partial(
        pl.kernel,
        out_type=jax.ShapeDtypeStruct((n * d,), jnp.float32),
        mesh=mesh,
        scratch_types=[
            pltpu.VMEM((span + _L,), jnp.int32),
            pltpu.VMEM((b * d,), jnp.float32),
            pltpu.VMEM((_C * d,), jnp.float32),
            pltpu.SMEM((b + 1,), jnp.int32),
            pltpu.SemaphoreType.DMA,
        ],
    )
    def bcast(idx_hbm, glob_hbm, out_hbm, idx_v, glob_v, rows_v, bnd_s,
              sem_w):
        wid = lax.axis_index("s") * _NC + lax.axis_index("c")
        r0 = ((wid * num_chunks) // _NW) * _C
        r1 = jnp.minimum((((wid + 1) * num_chunks) // _NW) * _C, n)
        idx_base = jnp.minimum(r0, idx_base_max)

        cp_g = pltpu.async_copy(glob_hbm, glob_v, sem_w)
        cp_i = pltpu.async_copy(idx_hbm.at[pl.ds(idx_base, span)],
                                idx_v.at[pl.ds(0, span)], sem_w)
        cp_g.wait()
        cp_i.wait()

        v_first = idx_v[pl.ds(r0 - idx_base, _L)][0]
        v_last = idx_v[pl.ds(r1 - 1 - idx_base, _L)][0]

        def search(v, carry):
            need = jnp.logical_and(v > v_first, v <= v_last)

            def do_search():
                def step(_, lh):
                    lo, hi = lh
                    active = lo < hi
                    mid = (lo + hi) // 2
                    val = idx_v[pl.ds(mid - idx_base, _L)][0]
                    go_right = jnp.logical_and(active, val < v)
                    lo = jnp.where(go_right, mid + 1, lo)
                    hi = jnp.where(
                        jnp.logical_and(active, jnp.logical_not(val < v)),
                        mid, hi)
                    return lo, hi
                lo, _ = lax.fori_loop(0, n_search, step, (r0, r1))
                return lo

            bnd_s[v] = lax.cond(
                need, do_search,
                lambda: jnp.where(v <= v_first, r0, r1))
            return carry
        lax.fori_loop(0, b, search, 0)
        bnd_s[b] = r1

        def fill_uniform(bid):
            row = [glob_v[pl.ds(bid * d + k * _L, _L)] for k in range(ncg)]

            def store_row(r, carry):
                for k in range(ncg):
                    rows_v[pl.ds(r * d + k * _L, _L)] = row[k]
                return carry
            lax.fori_loop(0, _C, store_row, 0)

        def drain(k):
            def wait_one(_, carry):
                pltpu.make_async_copy(
                    rows_v, out_hbm.at[pl.ds(0, _C * d)], sem_w).wait()
                return carry
            lax.fori_loop(0, k, wait_one, 0)

        def run_body(v, n_out):
            start = bnd_s[v]
            end = bnd_s[v + 1]
            m = end - start
            n_full = m >> (_C.bit_length() - 1)
            rem = m & (_C - 1)
            active = m > 0
            has_tail = jnp.logical_and(rem > 0, m >= _C)

            @pl.when(active)
            def _():
                drain(n_out)
                fill_uniform(v)

                def wr(k, carry):
                    pltpu.async_copy(
                        rows_v,
                        out_hbm.at[pl.ds((start + k * _C) * d, _C * d)],
                        sem_w)
                    return carry
                lax.fori_loop(0, n_full, wr, 0)

                @pl.when(has_tail)
                def _():
                    pltpu.async_copy(
                        rows_v, out_hbm.at[pl.ds((end - _C) * d, _C * d)],
                        sem_w)

                @pl.when(m < _C)
                def _():
                    off = start
                    for sz in [_C >> (s + 1)
                               for s in range(_C.bit_length() - 1)]:
                        hit = (m & sz) != 0

                        @pl.when(hit)
                        def _(off=off, sz=sz):
                            pltpu.sync_copy(
                                rows_v.at[pl.ds(0, sz * d)],
                                out_hbm.at[pl.ds(off * d, sz * d)])
                        off = off + jnp.where(hit, sz, 0)

            return jnp.where(active,
                             n_full + jnp.where(has_tail, 1, 0),
                             n_out)

        n_left = lax.fori_loop(0, b, run_body, jnp.int32(0))
        drain(n_left)

    out = bcast(idx, glob_flat)
    return out.reshape(n, d)

# --- scband reference (transcript-rebuilt; emitter-appended) ---
"""Pipeline reference for scband-minkowski-broadcast-83794811945198 (READ-ONLY COPY).

The authoritative reference and input builder live on the scoring server;
editing this copy changes nothing except your own understanding.
"""

import jax, jax.numpy as jnp
import numpy as np

N = 100000
B = 16
D = 128

def setup_inputs(seed: int = 0) -> dict:
    key = jax.random.key(seed)
    k1, k2, k3 = jax.random.split(key, 3)
    feat = jax.random.normal(k1, (N, D), dtype=jnp.float32)
    batch_ids = jnp.sort(jax.random.randint(k2, (N,), 0, B, dtype=jnp.int64))
    glob_feat = jax.random.normal(k3, (B, D), dtype=jnp.float32)
    return {"feat": feat, "batch_ids": batch_ids, "glob_feat": glob_feat}

def reference(feat, batch_ids, glob_feat):
    # MinkowskiBroadcast: for each input coordinate (row of feat), copy the
    # globally-reduced feature of its batch. The torch loop
    #   for b, row_ind in enumerate(row_inds): broadcast_feat[row_ind] = glob.F[b]
    # is exactly a row-gather of glob_feat by the per-point batch index.
    # feat is only used to define the output coordinate set (its row count/dtype).
    broadcast_feat = jnp.take(glob_feat, batch_ids, axis=0)
    return broadcast_feat

if __name__ == "__main__":
    import jax
    _d = setup_inputs()
    print(jax.jit(kernel)(*tuple(_d.values())))

</pallas_src>

<mosaic_0001>
#map = affine_map<(d0, d1) -> (0)>
module attributes {stable_mosaic.version = 14 : i64} {
  func.func @bcast(%arg0: i32, %arg1: i32, %arg2: memref<100000xi32, #tpu.memory_space<hbm>>, %arg3: memref<2048xf32, #tpu.memory_space<hbm>>, %arg4: memref<12800000xf32, #tpu.memory_space<hbm>>, %arg5: memref<3152xi32, #tpu.memory_space<vmem>>, %arg6: memref<2048xf32, #tpu.memory_space<vmem>>, %arg7: memref<2048xf32, #tpu.memory_space<vmem>>, %arg8: memref<17xi32, #tpu.memory_space<smem>>, %arg9: memref<!tpu.dma_semaphore, #tpu.memory_space<semaphore_mem>>) attributes {dimension_semantics = [#tpu.dimension_semantics<core_parallel>, #tpu.dimension_semantics<subcore_parallel>], iteration_bounds = array<i64: 2, 16>, scalar_prefetch = 0 : i64, scratch_operands = 5 : i64, tpu.core_type = #tpu.core_type<sc_vector_subcore>, window_params = [{transform_indices = #map}, {transform_indices = #map}, {transform_indices = #map}]} {
    %mul3A = arith.constant 2 : i32
    %mul3A_0 = arith.muli %arg1, %mul3A : i32
    %add3A = arith.addi %mul3A_0, %arg0 : i32
    %mul3A_1 = arith.constant 6250 : i32
    %mul3A_2 = arith.muli %add3A, %mul3A_1 : i32
    %jit3A = arith.constant 32 : i32
    %div3A = arith.divsi %mul3A_2, %jit3A : i32
    %sign3A = arith.constant 0 : i32
    %sign3A_3 = arith.cmpi sgt, %mul3A_2, %sign3A : i32
    %sign3A_4 = arith.extui %sign3A_3 : i1 to i32
    %sign3A_5 = arith.constant 0 : i32
    %sign3A_6 = arith.cmpi slt, %mul3A_2, %sign3A_5 : i32
    %sign3A_7 = arith.extui %sign3A_6 : i1 to i32
    %sign3A_8 = arith.subi %sign3A_4, %sign3A_7 : i32
    %sign3A_9 = arith.constant 0 : i32
    %sign3A_10 = arith.cmpi sgt, %jit3A, %sign3A_9 : i32
    %sign3A_11 = arith.extui %sign3A_10 : i1 to i32
    %sign3A_12 = arith.constant 0 : i32
    %sign3A_13 = arith.cmpi slt, %jit3A, %sign3A_12 : i32
    %sign3A_14 = arith.extui %sign3A_13 : i1 to i32
    %sign3A_15 = arith.subi %sign3A_11, %sign3A_14 : i32
    %ne3A = arith.cmpi ne, %sign3A_8, %sign3A_15 : i32
    %rem3A = arith.remsi %mul3A_2, %jit3A : i32
    %ne3A_16 = arith.constant 0 : i32
    %ne3A_17 = arith.cmpi ne, %rem3A, %ne3A_16 : i32
    %and3A = arith.andi %ne3A, %ne3A_17 : i1
    %sub3A = arith.constant 1 : i32
    %sub3A_18 = arith.subi %div3A, %sub3A : i32
    %select_n3A = arith.select %and3A, %sub3A_18, %div3A : i32
    %mul3A_19 = arith.constant 16 : i32
    %mul3A_20 = arith.muli %select_n3A, %mul3A_19 : i32
    %add3A_21 = arith.constant 1 : i32
    %add3A_22 = arith.addi %add3A, %add3A_21 : i32
    %mul3A_23 = arith.constant 6250 : i32
    %mul3A_24 = arith.muli %add3A_22, %mul3A_23 : i32
    %jit3A_25 = arith.constant 32 : i32
    %div3A_26 = arith.divsi %mul3A_24, %jit3A_25 : i32
    %sign3A_27 = arith.constant 0 : i32
    %sign3A_28 = arith.cmpi sgt, %mul3A_24, %sign3A_27 : i32
    %sign3A_29 = arith.extui %sign3A_28 : i1 to i32
    %sign3A_30 = arith.constant 0 : i32
    %sign3A_31 = arith.cmpi slt, %mul3A_24, %sign3A_30 : i32
    %sign3A_32 = arith.extui %sign3A_31 : i1 to i32
    %sign3A_33 = arith.subi %sign3A_29, %sign3A_32 : i32
    %sign3A_34 = arith.constant 0 : i32
    %sign3A_35 = arith.cmpi sgt, %jit3A_25, %sign3A_34 : i32
    %sign3A_36 = arith.extui %sign3A_35 : i1 to i32
    %sign3A_37 = arith.constant 0 : i32
    %sign3A_38 = arith.cmpi slt, %jit3A_25, %sign3A_37 : i32
    %sign3A_39 = arith.extui %sign3A_38 : i1 to i32
    %sign3A_40 = arith.subi %sign3A_36, %sign3A_39 : i32
    %ne3A_41 = arith.cmpi ne, %sign3A_33, %sign3A_40 : i32
    %rem3A_42 = arith.remsi %mul3A_24, %jit3A_25 : i32
    %ne3A_43 = arith.constant 0 : i32
    %ne3A_44 = arith.cmpi ne, %rem3A_42, %ne3A_43 : i32
    %and3A_45 = arith.andi %ne3A_41, %ne3A_44 : i1
    %sub3A_46 = arith.constant 1 : i32
    %sub3A_47 = arith.subi %div3A_26, %sub3A_46 : i32
    %select_n3A_48 = arith.select %and3A_45, %sub3A_47, %div3A_26 : i32
    %mul3A_49 = arith.constant 16 : i32
    %mul3A_50 = arith.muli %select_n3A_48, %mul3A_49 : i32
    %min3A = arith.constant 100000 : i32
    %min3A_51 = arith.minsi %mul3A_50, %min3A : i32
    %min3A_52 = arith.constant 96864 : i32
    %min3A_53 = arith.minsi %mul3A_20, %min3A_52 : i32
    tpu.enqueue_dma source(%arg3 : memref<2048xf32, #tpu.memory_space<hbm>>) target(%arg6 : memref<2048xf32, #tpu.memory_space<vmem>>) target_semaphore(%arg9 : memref<!tpu.dma_semaphore, #tpu.memory_space<semaphore_mem>>)
    %dma_start3A = arith.constant 0 : i32
    %dma_start3A_54 = tpu.memref_slice %arg5[%dma_start3A] : memref<3152xi32, #tpu.memory_space<vmem>> -> memref<3136xi32, #tpu.memory_space<vmem>>
    %dma_start3A_55 = tpu.memref_slice %arg2[%min3A_53] : memref<100000xi32, #tpu.memory_space<hbm>> -> memref<3136xi32, #tpu.memory_space<hbm>>
    %dma_start3A_56 = arith.constant 0 : i32
    %dma_start3A_57 = tpu.memref_slice %arg5[%dma_start3A_56] : memref<3152xi32, #tpu.memory_space<vmem>> -> memref<3136xi32, #tpu.memory_space<vmem>>
    %dma_start3A_58 = tpu.memref_slice %arg2[%min3A_53] : memref<100000xi32, #tpu.memory_space<hbm>> -> memref<3136xi32, #tpu.memory_space<hbm>>
    tpu.enqueue_dma source(%dma_start3A_58 : memref<3136xi32, #tpu.memory_space<hbm>>) target(%dma_start3A_57 : memref<3136xi32, #tpu.memory_space<vmem>>) target_semaphore(%arg9 : memref<!tpu.dma_semaphore, #tpu.memory_space<semaphore_mem>>)
    tpu.wait_dma2 semaphore(%arg9 : memref<!tpu.dma_semaphore, #tpu.memory_space<semaphore_mem>>) src(%arg3 : memref<2048xf32, #tpu.memory_space<hbm>>) dst(%arg6 : memref<2048xf32, #tpu.memory_space<vmem>>)
    %dma_wait3A = arith.constant 0 : i32
    %dma_wait3A_59 = tpu.memref_slice %arg5[%dma_wait3A] : memref<3152xi32, #tpu.memory_space<vmem>> -> memref<3136xi32, #tpu.memory_space<vmem>>
    %dma_wait3A_60 = tpu.memref_slice %arg2[%min3A_53] : memref<100000xi32, #tpu.memory_space<hbm>> -> memref<3136xi32, #tpu.memory_space<hbm>>
    %dma_wait3A_61 = arith.constant 0 : i32
    %dma_wait3A_62 = tpu.memref_slice %arg5[%dma_wait3A_61] : memref<3152xi32, #tpu.memory_space<vmem>> -> memref<3136xi32, #tpu.memory_space<vmem>>
    %dma_wait3A_63 = tpu.memref_slice %arg2[%min3A_53] : memref<100000xi32, #tpu.memory_space<hbm>> -> memref<3136xi32, #tpu.memory_space<hbm>>
    tpu.wait_dma2 semaphore(%arg9 : memref<!tpu.dma_semaphore, #tpu.memory_space<semaphore_mem>>) src(%dma_wait3A_63 : memref<3136xi32, #tpu.memory_space<hbm>>) dst(%dma_wait3A_62 : memref<3136xi32, #tpu.memory_space<vmem>>)
    %sub3A_64 = arith.subi %mul3A_20, %min3A_53 : i32
    %get3A = arith.index_cast %sub3A_64 : i32 to index
    %get3A_65 = tpu.vector_load %arg5[%get3A] {strides = array<i32>} : memref<3152xi32, #tpu.memory_space<vmem>>, vector<16xi32>,
    %get3A_66 = vector.shape_cast %get3A_65 : vector<16xi32> to vector<16xi32>
    %slice3A = vector.extract_strided_slice %get3A_66 {offsets = [0], sizes = [1], strides = [1]} : vector<16xi32> to vector<1xi32>
    %squeeze3A = vector.extract %slice3A[0] : i32 from vector<1xi32>
    %sub3A_67 = arith.constant 1 : i32
    %sub3A_68 = arith.subi %min3A_51, %sub3A_67 : i32
    %sub3A_69 = arith.subi %sub3A_68, %min3A_53 : i32
    %get3A_70 = arith.index_cast %sub3A_69 : i32 to index
    %get3A_71 = tpu.vector_load %arg5[%get3A_70] {strides = array<i32>} : memref<3152xi32, #tpu.memory_space<vmem>>, vector<16xi32>,
    %get3A_72 = vector.shape_cast %get3A_71 : vector<16xi32> to vector<16xi32>
    %slice3A_73 = vector.extract_strided_slice %get3A_72 {offsets = [0], sizes = [1], strides = [1]} : vector<16xi32> to vector<1xi32>
    %squeeze3A_74 = vector.extract %slice3A_73[0] : i32 from vector<1xi32>
    %scan3A = arith.constant 0 : i32
    %scan3A_75 = arith.constant 0 : i32
    %scan3A_76 = arith.constant 16 : i32
    %scan3A_77 = arith.addi %scan3A_75, %scan3A_76 : i32
    %scan3A_78 = arith.constant 1 : i32
    scf.for %scan3A_98 = %scan3A_75 to %scan3A_77 step %scan3A_78  : i32 {
      %gt3A = arith.cmpi sgt, %scan3A_98, %squeeze3A : i32
      %le3A = arith.cmpi sle, %scan3A_98, %squeeze3A_74 : i32
      %and3A_99 = arith.andi %gt3A, %le3A : i1
      %convert_element_type3A = arith.extui %and3A_99 : i1 to i32
      %cond3A = arith.constant 0 : i32
      %cond3A_100 = arith.cmpi ne, %convert_element_type3A, %cond3A : i32
      %cond3A_101 = scf.if %cond3A_100 -> (i32) {
        %scan3A_104 = arith.constant 0 : i32
        %scan3A_105 = arith.constant 12 : i32
        %scan3A_106 = arith.addi %scan3A_104, %scan3A_105 : i32
        %scan3A_107 = arith.constant 1 : i32
        %scan3A_108:2 = scf.for %scan3A_110 = %scan3A_104 to %scan3A_106 step %scan3A_107 iter_args(%scan3A_111 = %mul3A_20, %scan3A_112 = %min3A_51) -> (i32, i32)  : i32 {
          %lt3A = arith.cmpi slt, %scan3A_111, %scan3A_112 : i32
          %add3A_113 = arith.addi %scan3A_111, %scan3A_112 : i32
          %jit3A_114 = arith.constant 2 : i32
          %div3A_115 = arith.divsi %add3A_113, %jit3A_114 : i32
          %sign3A_116 = arith.constant 0 : i32
          %sign3A_117 = arith.cmpi sgt, %add3A_113, %sign3A_116 : i32
          %sign3A_118 = arith.extui %sign3A_117 : i1 to i32
          %sign3A_119 = arith.constant 0 : i32
          %sign3A_120 = arith.cmpi slt, %add3A_113, %sign3A_119 : i32
          %sign3A_121 = arith.extui %sign3A_120 : i1 to i32
          %sign3A_122 = arith.subi %sign3A_118, %sign3A_121 : i32
          %sign3A_123 = arith.constant 0 : i32
          %sign3A_124 = arith.cmpi sgt, %jit3A_114, %sign3A_123 : i32
          %sign3A_125 = arith.extui %sign3A_124 : i1 to i32
          %sign3A_126 = arith.constant 0 : i32
          %sign3A_127 = arith.cmpi slt, %jit3A_114, %sign3A_126 : i32
          %sign3A_128 = arith.extui %sign3A_127 : i1 to i32
          %sign3A_129 = arith.subi %sign3A_125, %sign3A_128 : i32
          %ne3A_130 = arith.cmpi ne, %sign3A_122, %sign3A_129 : i32
          %rem3A_131 = arith.remsi %add3A_113, %jit3A_114 : i32
          %ne3A_132 = arith.constant 0 : i32
          %ne3A_133 = arith.cmpi ne, %rem3A_131, %ne3A_132 : i32
          %and3A_134 = arith.andi %ne3A_130, %ne3A_133 : i1
          %sub3A_135 = arith.constant 1 : i32
          %sub3A_136 = arith.subi %div3A_115, %sub3A_135 : i32
          %select_n3A_137 = arith.select %and3A_134, %sub3A_136, %div3A_115 : i32
          %sub3A_138 = arith.subi %select_n3A_137, %min3A_53 : i32
          %get3A_139 = arith.index_cast %sub3A_138 : i32 to index
          %get3A_140 = tpu.vector_load %arg5[%get3A_139] {strides = array<i32>} : memref<3152xi32, #tpu.memory_space<vmem>>, vector<16xi32>,
          %get3A_141 = vector.shape_cast %get3A_140 : vector<16xi32> to vector<16xi32>
          %slice3A_142 = vector.extract_strided_slice %get3A_141 {offsets = [0], sizes = [1], strides = [1]} : vector<16xi32> to vector<1xi32>
          %squeeze3A_143 = vector.extract %slice3A_142[0] : i32 from vector<1xi32>
          %lt3A_144 = arith.cmpi slt, %squeeze3A_143, %scan3A_98 : i32
          %and3A_145 = arith.andi %lt3A, %lt3A_144 : i1
          %add3A_146 = arith.constant 1 : i32
          %add3A_147 = arith.addi %select_n3A_137, %add3A_146 : i32
          %select_n3A_148 = arith.select %and3A_145, %add3A_147, %scan3A_111 : i32
          %lt3A_149 = arith.cmpi slt, %squeeze3A_143, %scan3A_98 : i32
          %not3A = arith.constant true
          %not3A_150 = arith.xori %lt3A_149, %not3A : i1
          %and3A_151 = arith.andi %lt3A, %not3A_150 : i1
          %select_n3A_152 = arith.select %and3A_151, %select_n3A_137, %scan3A_112 : i32
          scf.yield %select_n3A_148, %select_n3A_152 : i32, i32
        }
        %scan3A_109 = arith.constant 12 : i32
        scf.yield %scan3A_108#0 : i32
      } else {
        %le3A_104 = arith.cmpi sle, %scan3A_98, %squeeze3A : i32
        %select_n3A_105 = arith.select %le3A_104, %mul3A_20, %min3A_51 : i32
        scf.yield %select_n3A_105 : i32
      }
      %swap3A_102 = arith.index_cast %scan3A_98 : i32 to index
      %swap3A_103 = memref.load %arg8[%swap3A_102] : memref<17xi32, #tpu.memory_space<smem>>
      memref.store %cond3A_101, %arg8[%swap3A_102] : memref<17xi32, #tpu.memory_space<smem>>
    }
    %scan3A_79 = arith.constant 16 : i32
    %swap3A = arith.constant 16 : i32
    %swap3A_80 = arith.index_cast %swap3A : i32 to index
    %swap3A_81 = memref.load %arg8[%swap3A_80] : memref<17xi32, #tpu.memory_space<smem>>
    memref.store %min3A_51, %arg8[%swap3A_80] : memref<17xi32, #tpu.memory_space<smem>>
    %scan3A_82 = arith.constant 0 : i32
    %scan3A_83 = arith.constant 0 : i32
    %scan3A_84 = arith.constant 16 : i32
    %scan3A_85 = arith.addi %scan3A_83, %scan3A_84 : i32
    %scan3A_86 = arith.constant 1 : i32
    %scan3A_87 = scf.for %scan3A_98 = %scan3A_83 to %scan3A_85 step %scan3A_86 iter_args(%scan3A_99 = %scan3A_82) -> (i32)  : i32 {
      %get3A_100 = arith.index_cast %scan3A_98 : i32 to index
      %get3A_101 = memref.load %arg8[%get3A_100] : memref<17xi32, #tpu.memory_space<smem>>
      %add3A_102 = arith.constant 1 : i32
      %add3A_103 = arith.addi %scan3A_98, %add3A_102 : i32
      %get3A_104 = arith.index_cast %add3A_103 : i32 to index
      %get3A_105 = memref.load %arg8[%get3A_104] : memref<17xi32, #tpu.memory_space<smem>>
      %sub3A_106 = arith.subi %get3A_105, %get3A_101 : i32
      %shift_right_arithmetic3A = arith.constant 4 : i32
      %shift_right_arithmetic3A_107 = arith.shrsi %sub3A_106, %shift_right_arithmetic3A : i32
      %and3A_108 = arith.constant 15 : i32
      %and3A_109 = arith.andi %sub3A_106, %and3A_108 : i32
      %gt3A = arith.constant 0 : i32
      %gt3A_110 = arith.cmpi sgt, %sub3A_106, %gt3A : i32
      %gt3A_111 = arith.constant 0 : i32
      %gt3A_112 = arith.cmpi sgt, %and3A_109, %gt3A_111 : i32
      %ge3A = arith.constant 16 : i32
      %ge3A_113 = arith.cmpi sge, %sub3A_106, %ge3A : i32
      %and3A_114 = arith.andi %gt3A_112, %ge3A_113 : i1
      %convert_element_type3A = arith.extui %gt3A_110 : i1 to i32
      %cond3A = arith.constant 0 : i32
      %cond3A_115 = arith.cmpi ne, %convert_element_type3A, %cond3A : i32
      scf.if %cond3A_115 {
        %while3A_121 = arith.constant 0 : i32
        %while3A_122 = arith.constant 0 : i32
        %while3A_123 = arith.subi %scan3A_99, %while3A_122 : i32
        %while3A_124 = arith.addi %while3A_122, %while3A_123 : i32
        %while3A_125 = arith.constant 1 : i32
        %while3A_126 = arith.divsi %while3A_123, %while3A_125 : i32
        %while3A_127 = arith.muli %while3A_126, %while3A_125 : i32
        %while3A_128 = arith.addi %while3A_122, %while3A_127 : i32
        %while3A_129 = arith.constant 1 : i32
        scf.for %while3A_210 = %while3A_122 to %while3A_128 step %while3A_129  : i32 {
          %dma_wait3A_211 = arith.constant 0 : i32
          %dma_wait3A_212 = tpu.memref_slice %arg4[%dma_wait3A_211] : memref<12800000xf32, #tpu.memory_space<hbm>> -> memref<2048xf32, #tpu.memory_space<hbm>>
          %dma_wait3A_213 = arith.constant 0 : i32
          %dma_wait3A_214 = tpu.memref_slice %arg4[%dma_wait3A_213] : memref<12800000xf32, #tpu.memory_space<hbm>> -> memref<2048xf32, #tpu.memory_space<hbm>>
          tpu.wait_dma2 semaphore(%arg9 : memref<!tpu.dma_semaphore, #tpu.memory_space<semaphore_mem>>) src(%arg7 : memref<2048xf32, #tpu.memory_space<vmem>>) dst(%dma_wait3A_214 : memref<2048xf32, #tpu.memory_space<hbm>>)
        }
        %while3A_130 = arith.constant 1 : i32
        scf.for %while3A_210 = %while3A_128 to %while3A_124 step %while3A_130  : i32 {
          %dma_wait3A_211 = arith.constant 0 : i32
          %dma_wait3A_212 = tpu.memref_slice %arg4[%dma_wait3A_211] : memref<12800000xf32, #tpu.memory_space<hbm>> -> memref<2048xf32, #tpu.memory_space<hbm>>
          %dma_wait3A_213 = arith.constant 0 : i32
          %dma_wait3A_214 = tpu.memref_slice %arg4[%dma_wait3A_213] : memref<12800000xf32, #tpu.memory_space<hbm>> -> memref<2048xf32, #tpu.memory_space<hbm>>
          tpu.wait_dma2 semaphore(%arg9 : memref<!tpu.dma_semaphore, #tpu.memory_space<semaphore_mem>>) src(%arg7 : memref<2048xf32, #tpu.memory_space<vmem>>) dst(%dma_wait3A_214 : memref<2048xf32, #tpu.memory_space<hbm>>)
        }
        %mul3A_131 = arith.constant 128 : i32
        %mul3A_132 = arith.muli %scan3A_98, %mul3A_131 : i32
        %add3A_133 = arith.constant 0 : i32
        %add3A_134 = arith.addi %mul3A_132, %add3A_133 : i32
        %get3A_135 = arith.index_cast %add3A_134 : i32 to index
        %get3A_136 = tpu.vector_load %arg6[%get3A_135] {strides = array<i32>} : memref<2048xf32, #tpu.memory_space<vmem>>, vector<16xf32>,
        %get3A_137 = vector.shape_cast %get3A_136 : vector<16xf32> to vector<16xf32>
        %mul3A_138 = arith.constant 128 : i32
        %mul3A_139 = arith.muli %scan3A_98, %mul3A_138 : i32
        %add3A_140 = arith.constant 16 : i32
        %add3A_141 = arith.addi %mul3A_139, %add3A_140 : i32
        %get3A_142 = arith.index_cast %add3A_141 : i32 to index
        %get3A_143 = tpu.vector_load %arg6[%get3A_142] {strides = array<i32>} : memref<2048xf32, #tpu.memory_space<vmem>>, vector<16xf32>,
        %get3A_144 = vector.shape_cast %get3A_143 : vector<16xf32> to vector<16xf32>
        %mul3A_145 = arith.constant 128 : i32
        %mul3A_146 = arith.muli %scan3A_98, %mul3A_145 : i32
        %add3A_147 = arith.constant 32 : i32
        %add3A_148 = arith.addi %mul3A_146, %add3A_147 : i32
        %get3A_149 = arith.index_cast %add3A_148 : i32 to index
        %get3A_150 = tpu.vector_load %arg6[%get3A_149] {strides = array<i32>} : memref<2048xf32, #tpu.memory_space<vmem>>, vector<16xf32>,
        %get3A_151 = vector.shape_cast %get3A_150 : vector<16xf32> to vector<16xf32>
        %mul3A_152 = arith.constant 128 : i32
        %mul3A_153 = arith.muli %scan3A_98, %mul3A_152 : i32
        %add3A_154 = arith.constant 48 : i32
        %add3A_155 = arith.addi %mul3A_153, %add3A_154 : i32
        %get3A_156 = arith.index_cast %add3A_155 : i32 to index
        %get3A_157 = tpu.vector_load %arg6[%get3A_156] {strides = array<i32>} : memref<2048xf32, #tpu.memory_space<vmem>>, vector<16xf32>,
        %get3A_158 = vector.shape_cast %get3A_157 : vector<16xf32> to vector<16xf32>
        %mul3A_159 = arith.constant 128 : i32
        %mul3A_160 = arith.muli %scan3A_98, %mul3A_159 : i32
        %add3A_161 = arith.constant 64 : i32
        %add3A_162 = arith.addi %mul3A_160, %add3A_161 : i32
        %get3A_163 = arith.index_cast %add3A_162 : i32 to index
        %get3A_164 = tpu.vector_load %arg6[%get3A_163] {strides = array<i32>} : memref<2048xf32, #tpu.memory_space<vmem>>, vector<16xf32>,
        %get3A_165 = vector.shape_cast %get3A_164 : vector<16xf32> to vector<16xf32>
        %mul3A_166 = arith.constant 128 : i32
        %mul3A_167 = arith.muli %scan3A_98, %mul3A_166 : i32
        %add3A_168 = arith.constant 80 : i32
        %add3A_169 = arith.addi %mul3A_167, %add3A_168 : i32
        %get3A_170 = arith.index_cast %add3A_169 : i32 to index
        %get3A_171 = tpu.vector_load %arg6[%get3A_170] {strides = array<i32>} : memref<2048xf32, #tpu.memory_space<vmem>>, vector<16xf32>,
        %get3A_172 = vector.shape_cast %get3A_171 : vector<16xf32> to vector<16xf32>
        %mul3A_173 = arith.constant 128 : i32
        %mul3A_174 = arith.muli %scan3A_98, %mul3A_173 : i32
        %add3A_175 = arith.constant 96 : i32
        %add3A_176 = arith.addi %mul3A_174, %add3A_175 : i32
        %get3A_177 = arith.index_cast %add3A_176 : i32 to index
        %get3A_178 = tpu.vector_load %arg6[%get3A_177] {strides = array<i32>} : memref<2048xf32, #tpu.memory_space<vmem>>, vector<16xf32>,
        %get3A_179 = vector.shape_cast %get3A_178 : vector<16xf32> to vector<16xf32>
        %mul3A_180 = arith.constant 128 : i32
        %mul3A_181 = arith.muli %scan3A_98, %mul3A_180 : i32
        %add3A_182 = arith.constant 112 : i32
        %add3A_183 = arith.addi %mul3A_181, %add3A_182 : i32
        %get3A_184 = arith.index_cast %add3A_183 : i32 to index
        %get3A_185 = tpu.vector_load %arg6[%get3A_184] {strides = array<i32>} : memref<2048xf32, #tpu.memory_space<vmem>>, vector<16xf32>,
        %get3A_186 = vector.shape_cast %get3A_185 : vector<16xf32> to vector<16xf32>
        %scan3A_187 = arith.constant 0 : i32
        %scan3A_188 = arith.constant 0 : i32
        %scan3A_189 = arith.constant 16 : i32
        %scan3A_190 = arith.addi %scan3A_188, %scan3A_189 : i32
        %scan3A_191 = arith.constant 1 : i32
        scf.for %scan3A_210 = %scan3A_188 to %scan3A_190 step %scan3A_191  : i32 {
          %mul3A_211 = arith.constant 128 : i32
          %mul3A_212 = arith.muli %scan3A_210, %mul3A_211 : i32
          %add3A_213 = arith.constant 0 : i32
          %add3A_214 = arith.addi %mul3A_212, %add3A_213 : i32
          %swap3A_215 = arith.index_cast %add3A_214 : i32 to index
          %swap3A_216 = tpu.vector_load %arg7[%swap3A_215] {strides = array<i32>} : memref<2048xf32, #tpu.memory_space<vmem>>, vector<16xf32>,
          %swap3A_217 = vector.shape_cast %swap3A_216 : vector<16xf32> to vector<16xf32>
          %swap3A_218 = vector.shape_cast %get3A_137 : vector<16xf32> to vector<16xf32>
          tpu.vector_store %arg7[%swap3A_215], %swap3A_218 {strides = array<i32>} : memref<2048xf32, #tpu.memory_space<vmem>>, vector<16xf32>,
          %mul3A_219 = arith.constant 128 : i32
          %mul3A_220 = arith.muli %scan3A_210, %mul3A_219 : i32
          %add3A_221 = arith.constant 16 : i32
          %add3A_222 = arith.addi %mul3A_220, %add3A_221 : i32
          %swap3A_223 = arith.index_cast %add3A_222 : i32 to index
          %swap3A_224 = tpu.vector_load %arg7[%swap3A_223] {strides = array<i32>} : memref<2048xf32, #tpu.memory_space<vmem>>, vector<16xf32>,
          %swap3A_225 = vector.shape_cast %swap3A_224 : vector<16xf32> to vector<16xf32>
          %swap3A_226 = vector.shape_cast %get3A_144 : vector<16xf32> to vector<16xf32>
          tpu.vector_store %arg7[%swap3A_223], %swap3A_226 {strides = array<i32>} : memref<2048xf32, #tpu.memory_space<vmem>>, vector<16xf32>,
          %mul3A_227 = arith.constant 128 : i32
          %mul3A_228 = arith.muli %scan3A_210, %mul3A_227 : i32
          %add3A_229 = arith.constant 32 : i32
          %add3A_230 = arith.addi %mul3A_228, %add3A_229 : i32
          %swap3A_231 = arith.index_cast %add3A_230 : i32 to index
          %swap3A_232 = tpu.vector_load %arg7[%swap3A_231] {strides = array<i32>} : memref<2048xf32, #tpu.memory_space<vmem>>, vector<16xf32>,
          %swap3A_233 = vector.shape_cast %swap3A_232 : vector<16xf32> to vector<16xf32>
          %swap3A_234 = vector.shape_cast %get3A_151 : vector<16xf32> to vector<16xf32>
          tpu.vector_store %arg7[%swap3A_231], %swap3A_234 {strides = array<i32>} : memref<2048xf32, #tpu.memory_space<vmem>>, vector<16xf32>,
          %mul3A_235 = arith.constant 128 : i32
          %mul3A_236 = arith.muli %scan3A_210, %mul3A_235 : i32
          %add3A_237 = arith.constant 48 : i32
          %add3A_238 = arith.addi %mul3A_236, %add3A_237 : i32
          %swap3A_239 = arith.index_cast %add3A_238 : i32 to index
          %swap3A_240 = tpu.vector_load %arg7[%swap3A_239] {strides = array<i32>} : memref<2048xf32, #tpu.memory_space<vmem>>, vector<16xf32>,
          %swap3A_241 = vector.shape_cast %swap3A_240 : vector<16xf32> to vector<16xf32>
          %swap3A_242 = vector.shape_cast %get3A_158 : vector<16xf32> to vector<16xf32>
          tpu.vector_store %arg7[%swap3A_239], %swap3A_242 {strides = array<i32>} : memref<2048xf32, #tpu.memory_space<vmem>>, vector<16xf32>,
          %mul3A_243 = arith.constant 128 : i32
          %mul3A_244 = arith.muli %scan3A_210, %mul3A_243 : i32
          %add3A_245 = arith.constant 64 : i32
          %add3A_246 = arith.addi %mul3A_244, %add3A_245 : i32
          %swap3A_247 = arith.index_cast %add3A_246 : i32 to index
          %swap3A_248 = tpu.vector_load %arg7[%swap3A_247] {strides = array<i32>} : memref<2048xf32, #tpu.memory_space<vmem>>, vector<16xf32>,
          %swap3A_249 = vector.shape_cast %swap3A_248 : vector<16xf32> to vector<16xf32>
          %swap3A_250 = vector.shape_cast %get3A_165 : vector<16xf32> to vector<16xf32>
          tpu.vector_store %arg7[%swap3A_247], %swap3A_250 {strides = array<i32>} : memref<2048xf32, #tpu.memory_space<vmem>>, vector<16xf32>,
          %mul3A_251 = arith.constant 128 : i32
          %mul3A_252 = arith.muli %scan3A_210, %mul3A_251 : i32
          %add3A_253 = arith.constant 80 : i32
          %add3A_254 = arith.addi %mul3A_252, %add3A_253 : i32
          %swap3A_255 = arith.index_cast %add3A_254 : i32 to index
          %swap3A_256 = tpu.vector_load %arg7[%swap3A_255] {strides = array<i32>} : memref<2048xf32, #tpu.memory_space<vmem>>, vector<16xf32>,
          %swap3A_257 = vector.shape_cast %swap3A_256 : vector<16xf32> to vector<16xf32>
          %swap3A_258 = vector.shape_cast %get3A_172 : vector<16xf32> to vector<16xf32>
          tpu.vector_store %arg7[%swap3A_255], %swap3A_258 {strides = array<i32>} : memref<2048xf32, #tpu.memory_space<vmem>>, vector<16xf32>,
          %mul3A_259 = arith.constant 128 : i32
          %mul3A_260 = arith.muli %scan3A_210, %mul3A_259 : i32
          %add3A_261 = arith.constant 96 : i32
          %add3A_262 = arith.addi %mul3A_260, %add3A_261 : i32
          %swap3A_263 = arith.index_cast %add3A_262 : i32 to index
          %swap3A_264 = tpu.vector_load %arg7[%swap3A_263] {strides = array<i32>} : memref<2048xf32, #tpu.memory_space<vmem>>, vector<16xf32>,
          %swap3A_265 = vector.shape_cast %swap3A_264 : vector<16xf32> to vector<16xf32>
          %swap3A_266 = vector.shape_cast %get3A_179 : vector<16xf32> to vector<16xf32>
          tpu.vector_store %arg7[%swap3A_263], %swap3A_266 {strides = array<i32>} : memref<2048xf32, #tpu.memory_space<vmem>>, vector<16xf32>,
          %mul3A_267 = arith.constant 128 : i32
          %mul3A_268 = arith.muli %scan3A_210, %mul3A_267 : i32
          %add3A_269 = arith.constant 112 : i32
          %add3A_270 = arith.addi %mul3A_268, %add3A_269 : i32
          %swap3A_271 = arith.index_cast %add3A_270 : i32 to index
          %swap3A_272 = tpu.vector_load %arg7[%swap3A_271] {strides = array<i32>} : memref<2048xf32, #tpu.memory_space<vmem>>, vector<16xf32>,
          %swap3A_273 = vector.shape_cast %swap3A_272 : vector<16xf32> to vector<16xf32>
          %swap3A_274 = vector.shape_cast %get3A_186 : vector<16xf32> to vector<16xf32>
          tpu.vector_store %arg7[%swap3A_271], %swap3A_274 {strides = array<i32>} : memref<2048xf32, #tpu.memory_space<vmem>>, vector<16xf32>,
        }
        %scan3A_192 = arith.constant 16 : i32
        %while3A_193 = arith.constant 0 : i32
        %while3A_194 = arith.constant 0 : i32
        %while3A_195 = arith.subi %shift_right_arithmetic3A_107, %while3A_194 : i32
        %while3A_196 = arith.addi %while3A_194, %while3A_195 : i32
        %while3A_197 = arith.constant 1 : i32
        %while3A_198 = arith.divsi %while3A_195, %while3A_197 : i32
        %while3A_199 = arith.muli %while3A_198, %while3A_197 : i32
        %while3A_200 = arith.addi %while3A_194, %while3A_199 : i32
        %while3A_201 = arith.constant 1 : i32
        scf.for %while3A_210 = %while3A_194 to %while3A_200 step %while3A_201  : i32 {
          %mul3A_211 = arith.constant 16 : i32
          %mul3A_212 = arith.muli %while3A_210, %mul3A_211 : i32
          %add3A_213 = arith.addi %get3A_101, %mul3A_212 : i32
          %mul3A_214 = arith.constant 128 : i32
          %mul3A_215 = arith.muli %add3A_213, %mul3A_214 : i32
          %dma_start3A_216 = tpu.memref_slice %arg4[%mul3A_215] : memref<12800000xf32, #tpu.memory_space<hbm>> -> memref<2048xf32, #tpu.memory_space<hbm>>
          %dma_start3A_217 = tpu.memref_slice %arg4[%mul3A_215] : memref<12800000xf32, #tpu.memory_space<hbm>> -> memref<2048xf32, #tpu.memory_space<hbm>>
          tpu.enqueue_dma source(%arg7 : memref<2048xf32, #tpu.memory_space<vmem>>) target(%dma_start3A_217 : memref<2048xf32, #tpu.memory_space<hbm>>) target_semaphore(%arg9 : memref<!tpu.dma_semaphore, #tpu.memory_space<semaphore_mem>>)
        }
        %while3A_202 = arith.constant 1 : i32
        scf.for %while3A_210 = %while3A_200 to %while3A_196 step %while3A_202  : i32 {
          %mul3A_211 = arith.constant 16 : i32
          %mul3A_212 = arith.muli %while3A_210, %mul3A_211 : i32
          %add3A_213 = arith.addi %get3A_101, %mul3A_212 : i32
          %mul3A_214 = arith.constant 128 : i32
          %mul3A_215 = arith.muli %add3A_213, %mul3A_214 : i32
          %dma_start3A_216 = tpu.memref_slice %arg4[%mul3A_215] : memref<12800000xf32, #tpu.memory_space<hbm>> -> memref<2048xf32, #tpu.memory_space<hbm>>
          %dma_start3A_217 = tpu.memref_slice %arg4[%mul3A_215] : memref<12800000xf32, #tpu.memory_space<hbm>> -> memref<2048xf32, #tpu.memory_space<hbm>>
          tpu.enqueue_dma source(%arg7 : memref<2048xf32, #tpu.memory_space<vmem>>) target(%dma_start3A_217 : memref<2048xf32, #tpu.memory_space<hbm>>) target_semaphore(%arg9 : memref<!tpu.dma_semaphore, #tpu.memory_space<semaphore_mem>>)
        }
        %convert_element_type3A_203 = arith.extui %and3A_114 : i1 to i32
        %cond3A_204 = arith.constant 0 : i32
        %cond3A_205 = arith.cmpi ne, %convert_element_type3A_203, %cond3A_204 : i32
        scf.if %cond3A_205 {
          %sub3A_210 = arith.constant 16 : i32
          %sub3A_211 = arith.subi %get3A_105, %sub3A_210 : i32
          %mul3A_212 = arith.constant 128 : i32
          %mul3A_213 = arith.muli %sub3A_211, %mul3A_212 : i32
          %dma_start3A_214 = tpu.memref_slice %arg4[%mul3A_213] : memref<12800000xf32, #tpu.memory_space<hbm>> -> memref<2048xf32, #tpu.memory_space<hbm>>
          %dma_start3A_215 = tpu.memref_slice %arg4[%mul3A_213] : memref<12800000xf32, #tpu.memory_space<hbm>> -> memref<2048xf32, #tpu.memory_space<hbm>>
          tpu.enqueue_dma source(%arg7 : memref<2048xf32, #tpu.memory_space<vmem>>) target(%dma_start3A_215 : memref<2048xf32, #tpu.memory_space<hbm>>) target_semaphore(%arg9 : memref<!tpu.dma_semaphore, #tpu.memory_space<semaphore_mem>>)
        } else {
        }
        %lt3A = arith.constant 16 : i32
        %lt3A_206 = arith.cmpi slt, %sub3A_106, %lt3A : i32
        %convert_element_type3A_207 = arith.extui %lt3A_206 : i1 to i32
        %cond3A_208 = arith.constant 0 : i32
        %cond3A_209 = arith.cmpi ne, %convert_element_type3A_207, %cond3A_208 : i32
        scf.if %cond3A_209 {
          %and3A_210 = arith.constant 8 : i32
          %and3A_211 = arith.andi %sub3A_106, %and3A_210 : i32
          %ne3A_212 = arith.constant 0 : i32
          %ne3A_213 = arith.cmpi ne, %and3A_211, %ne3A_212 : i32
          %convert_element_type3A_214 = arith.extui %ne3A_213 : i1 to i32
          %cond3A_215 = arith.constant 0 : i32
          %cond3A_216 = arith.cmpi ne, %convert_element_type3A_214, %cond3A_215 : i32
          scf.if %cond3A_216 {
            %mul3A_254 = arith.constant 128 : i32
            %mul3A_255 = arith.muli %get3A_101, %mul3A_254 : i32
            "tpu.region"() ({
              %run_scoped3A = tpu.sem_alloc : memref<!tpu.dma_semaphore, #tpu.memory_space<semaphore_mem>>
              %dma_start3A_256 = arith.constant 0 : i32
              %dma_start3A_257 = tpu.memref_slice %arg7[%dma_start3A_256] : memref<2048xf32, #tpu.memory_space<vmem>> -> memref<1024xf32, #tpu.memory_space<vmem>>
              %dma_start3A_258 = tpu.memref_slice %arg4[%mul3A_255] : memref<12800000xf32, #tpu.memory_space<hbm>> -> memref<1024xf32, #tpu.memory_space<hbm>>
              %dma_start3A_259 = tpu.memref_slice %arg4[%mul3A_255] : memref<12800000xf32, #tpu.memory_space<hbm>> -> memref<1024xf32, #tpu.memory_space<hbm>>
              %dma_start3A_260 = arith.constant 0 : i32
              %dma_start3A_261 = tpu.memref_slice %arg7[%dma_start3A_260] : memref<2048xf32, #tpu.memory_space<vmem>> -> memref<1024xf32, #tpu.memory_space<vmem>>
              tpu.enqueue_dma source(%dma_start3A_261 : memref<1024xf32, #tpu.memory_space<vmem>>) target(%dma_start3A_259 : memref<1024xf32, #tpu.memory_space<hbm>>) target_semaphore(%run_scoped3A : memref<!tpu.dma_semaphore, #tpu.memory_space<semaphore_mem>>)
              %dma_wait3A_262 = arith.constant 0 : i32
              %dma_wait3A_263 = tpu.memref_slice %arg7[%dma_wait3A_262] : memref<2048xf32, #tpu.memory_space<vmem>> -> memref<1024xf32, #tpu.memory_space<vmem>>
              %dma_wait3A_264 = tpu.memref_slice %arg4[%mul3A_255] : memref<12800000xf32, #tpu.memory_space<hbm>> -> memref<1024xf32, #tpu.memory_space<hbm>>
              %dma_wait3A_265 = tpu.memref_slice %arg4[%mul3A_255] : memref<12800000xf32, #tpu.memory_space<hbm>> -> memref<1024xf32, #tpu.memory_space<hbm>>
              %dma_wait3A_266 = arith.constant 0 : i32
              %dma_wait3A_267 = tpu.memref_slice %arg7[%dma_wait3A_266] : memref<2048xf32, #tpu.memory_space<vmem>> -> memref<1024xf32, #tpu.memory_space<vmem>>
              tpu.wait_dma2 semaphore(%run_scoped3A : memref<!tpu.dma_semaphore, #tpu.memory_space<semaphore_mem>>) src(%dma_wait3A_267 : memref<1024xf32, #tpu.memory_space<vmem>>) dst(%dma_wait3A_265 : memref<1024xf32, #tpu.memory_space<hbm>>)
              tpu.yield
            }) : () -> ()
          } else {
          }
          %jit3A_217 = arith.constant 8 : i32
          %jit3A_218 = arith.constant 0 : i32
          %select_n3A_219 = arith.select %ne3A_213, %jit3A_217, %jit3A_218 : i32
          %add3A_220 = arith.addi %get3A_101, %select_n3A_219 : i32
          %and3A_221 = arith.constant 4 : i32
          %and3A_222 = arith.andi %sub3A_106, %and3A_221 : i32
          %ne3A_223 = arith.constant 0 : i32
          %ne3A_224 = arith.cmpi ne, %and3A_222, %ne3A_223 : i32
          %convert_element_type3A_225 = arith.extui %ne3A_224 : i1 to i32
          %cond3A_226 = arith.constant 0 : i32
          %cond3A_227 = arith.cmpi ne, %convert_element_type3A_225, %cond3A_226 : i32
          scf.if %cond3A_227 {
            %mul3A_254 = arith.constant 128 : i32
            %mul3A_255 = arith.muli %add3A_220, %mul3A_254 : i32
            "tpu.region"() ({
              %run_scoped3A = tpu.sem_alloc : memref<!tpu.dma_semaphore, #tpu.memory_space<semaphore_mem>>
              %dma_start3A_256 = arith.constant 0 : i32
              %dma_start3A_257 = tpu.memref_slice %arg7[%dma_start3A_256] : memref<2048xf32, #tpu.memory_space<vmem>> -> memref<512xf32, #tpu.memory_space<vmem>>
              %dma_start3A_258 = tpu.memref_slice %arg4[%mul3A_255] : memref<12800000xf32, #tpu.memory_space<hbm>> -> memref<512xf32, #tpu.memory_space<hbm>>
              %dma_start3A_259 = tpu.memref_slice %arg4[%mul3A_255] : memref<12800000xf32, #tpu.memory_space<hbm>> -> memref<512xf32, #tpu.memory_space<hbm>>
              %dma_start3A_260 = arith.constant 0 : i32
              %dma_start3A_261 = tpu.memref_slice %arg7[%dma_start3A_260] : memref<2048xf32, #tpu.memory_space<vmem>> -> memref<512xf32, #tpu.memory_space<vmem>>
              tpu.enqueue_dma source(%dma_start3A_261 : memref<512xf32, #tpu.memory_space<vmem>>) target(%dma_start3A_259 : memref<512xf32, #tpu.memory_space<hbm>>) target_semaphore(%run_scoped3A : memref<!tpu.dma_semaphore, #tpu.memory_space<semaphore_mem>>)
              %dma_wait3A_262 = arith.constant 0 : i32
              %dma_wait3A_263 = tpu.memref_slice %arg7[%dma_wait3A_262] : memref<2048xf32, #tpu.memory_space<vmem>> -> memref<512xf32, #tpu.memory_space<vmem>>
              %dma_wait3A_264 = tpu.memref_slice %arg4[%mul3A_255] : memref<12800000xf32, #tpu.memory_space<hbm>> -> memref<512xf32, #tpu.memory_space<hbm>>
              %dma_wait3A_265 = tpu.memref_slice %arg4[%mul3A_255] : memref<12800000xf32, #tpu.memory_space<hbm>> -> memref<512xf32, #tpu.memory_space<hbm>>
              %dma_wait3A_266 = arith.constant 0 : i32
              %dma_wait3A_267 = tpu.memref_slice %arg7[%dma_wait3A_266] : memref<2048xf32, #tpu.memory_space<vmem>> -> memref<512xf32, #tpu.memory_space<vmem>>
              tpu.wait_dma2 semaphore(%run_scoped3A : memref<!tpu.dma_semaphore, #tpu.memory_space<semaphore_mem>>) src(%dma_wait3A_267 : memref<512xf32, #tpu.memory_space<vmem>>) dst(%dma_wait3A_265 : memref<512xf32, #tpu.memory_space<hbm>>)
              tpu.yield
            }) : () -> ()
          } else {
          }
          %jit3A_228 = arith.constant 4 : i32
          %jit3A_229 = arith.constant 0 : i32
          %select_n3A_230 = arith.select %ne3A_224, %jit3A_228, %jit3A_229 : i32
          %add3A_231 = arith.addi %add3A_220, %select_n3A_230 : i32
          %and3A_232 = arith.constant 2 : i32
          %and3A_233 = arith.andi %sub3A_106, %and3A_232 : i32
          %ne3A_234 = arith.constant 0 : i32
          %ne3A_235 = arith.cmpi ne, %and3A_233, %ne3A_234 : i32
          %convert_element_type3A_236 = arith.extui %ne3A_235 : i1 to i32
          %cond3A_237 = arith.constant 0 : i32
          %cond3A_238 = arith.cmpi ne, %convert_element_type3A_236, %cond3A_237 : i32
          scf.if %cond3A_238 {
            %mul3A_254 = arith.constant 128 : i32
            %mul3A_255 = arith.muli %add3A_231, %mul3A_254 : i32
            "tpu.region"() ({
              %run_scoped3A = tpu.sem_alloc : memref<!tpu.dma_semaphore, #tpu.memory_space<semaphore_mem>>
              %dma_start3A_256 = arith.constant 0 : i32
              %dma_start3A_257 = tpu.memref_slice %arg7[%dma_start3A_256] : memref<2048xf32, #tpu.memory_space<vmem>> -> memref<256xf32, #tpu.memory_space<vmem>>
              %dma_start3A_258 = tpu.memref_slice %arg4[%mul3A_255] : memref<12800000xf32, #tpu.memory_space<hbm>> -> memref<256xf32, #tpu.memory_space<hbm>>
              %dma_start3A_259 = tpu.memref_slice %arg4[%mul3A_255] : memref<12800000xf32, #tpu.memory_space<hbm>> -> memref<256xf32, #tpu.memory_space<hbm>>
              %dma_start3A_260 = arith.constant 0 : i32
              %dma_start3A_261 = tpu.memref_slice %arg7[%dma_start3A_260] : memref<2048xf32, #tpu.memory_space<vmem>> -> memref<256xf32, #tpu.memory_space<vmem>>
              tpu.enqueue_dma source(%dma_start3A_261 : memref<256xf32, #tpu.memory_space<vmem>>) target(%dma_start3A_259 : memref<256xf32, #tpu.memory_space<hbm>>) target_semaphore(%run_scoped3A : memref<!tpu.dma_semaphore, #tpu.memory_space<semaphore_mem>>)
              %dma_wait3A_262 = arith.constant 0 : i32
              %dma_wait3A_263 = tpu.memref_slice %arg7[%dma_wait3A_262] : memref<2048xf32, #tpu.memory_space<vmem>> -> memref<256xf32, #tpu.memory_space<vmem>>
              %dma_wait3A_264 = tpu.memref_slice %arg4[%mul3A_255] : memref<12800000xf32, #tpu.memory_space<hbm>> -> memref<256xf32, #tpu.memory_space<hbm>>
              %dma_wait3A_265 = tpu.memref_slice %arg4[%mul3A_255] : memref<12800000xf32, #tpu.memory_space<hbm>> -> memref<256xf32, #tpu.memory_space<hbm>>
              %dma_wait3A_266 = arith.constant 0 : i32
              %dma_wait3A_267 = tpu.memref_slice %arg7[%dma_wait3A_266] : memref<2048xf32, #tpu.memory_space<vmem>> -> memref<256xf32, #tpu.memory_space<vmem>>
              tpu.wait_dma2 semaphore(%run_scoped3A : memref<!tpu.dma_semaphore, #tpu.memory_space<semaphore_mem>>) src(%dma_wait3A_267 : memref<256xf32, #tpu.memory_space<vmem>>) dst(%dma_wait3A_265 : memref<256xf32, #tpu.memory_space<hbm>>)
              tpu.yield
            }) : () -> ()
          } else {
          }
          %jit3A_239 = arith.constant 2 : i32
          %jit3A_240 = arith.constant 0 : i32
          %select_n3A_241 = arith.select %ne3A_235, %jit3A_239, %jit3A_240 : i32
          %add3A_242 = arith.addi %add3A_231, %select_n3A_241 : i32
          %and3A_243 = arith.constant 1 : i32
          %and3A_244 = arith.andi %sub3A_106, %and3A_243 : i32
          %ne3A_245 = arith.constant 0 : i32
          %ne3A_246 = arith.cmpi ne, %and3A_244, %ne3A_245 : i32
          %convert_element_type3A_247 = arith.extui %ne3A_246 : i1 to i32
          %cond3A_248 = arith.constant 0 : i32
          %cond3A_249 = arith.cmpi ne, %convert_element_type3A_247, %cond3A_248 : i32
          scf.if %cond3A_249 {
            %mul3A_254 = arith.constant 128 : i32
            %mul3A_255 = arith.muli %add3A_242, %mul3A_254 : i32
            "tpu.region"() ({
              %run_scoped3A = tpu.sem_alloc : memref<!tpu.dma_semaphore, #tpu.memory_space<semaphore_mem>>
              %dma_start3A_256 = arith.constant 0 : i32
              %dma_start3A_257 = tpu.memref_slice %arg7[%dma_start3A_256] : memref<2048xf32, #tpu.memory_space<vmem>> -> memref<128xf32, #tpu.memory_space<vmem>>
              %dma_start3A_258 = tpu.memref_slice %arg4[%mul3A_255] : memref<12800000xf32, #tpu.memory_space<hbm>> -> memref<128xf32, #tpu.memory_space<hbm>>
              %dma_start3A_259 = tpu.memref_slice %arg4[%mul3A_255] : memref<12800000xf32, #tpu.memory_space<hbm>> -> memref<128xf32, #tpu.memory_space<hbm>>
              %dma_start3A_260 = arith.constant 0 : i32
              %dma_start3A_261 = tpu.memref_slice %arg7[%dma_start3A_260] : memref<2048xf32, #tpu.memory_space<vmem>> -> memref<128xf32, #tpu.memory_space<vmem>>
              tpu.enqueue_dma source(%dma_start3A_261 : memref<128xf32, #tpu.memory_space<vmem>>) target(%dma_start3A_259 : memref<128xf32, #tpu.memory_space<hbm>>) target_semaphore(%run_scoped3A : memref<!tpu.dma_semaphore, #tpu.memory_space<semaphore_mem>>)
              %dma_wait3A_262 = arith.constant 0 : i32
              %dma_wait3A_263 = tpu.memref_slice %arg7[%dma_wait3A_262] : memref<2048xf32, #tpu.memory_space<vmem>> -> memref<128xf32, #tpu.memory_space<vmem>>
              %dma_wait3A_264 = tpu.memref_slice %arg4[%mul3A_255] : memref<12800000xf32, #tpu.memory_space<hbm>> -> memref<128xf32, #tpu.memory_space<hbm>>
              %dma_wait3A_265 = tpu.memref_slice %arg4[%mul3A_255] : memref<12800000xf32, #tpu.memory_space<hbm>> -> memref<128xf32, #tpu.memory_space<hbm>>
              %dma_wait3A_266 = arith.constant 0 : i32
              %dma_wait3A_267 = tpu.memref_slice %arg7[%dma_wait3A_266] : memref<2048xf32, #tpu.memory_space<vmem>> -> memref<128xf32, #tpu.memory_space<vmem>>
              tpu.wait_dma2 semaphore(%run_scoped3A : memref<!tpu.dma_semaphore, #tpu.memory_space<semaphore_mem>>) src(%dma_wait3A_267 : memref<128xf32, #tpu.memory_space<vmem>>) dst(%dma_wait3A_265 : memref<128xf32, #tpu.memory_space<hbm>>)
              tpu.yield
            }) : () -> ()
          } else {
          }
          %jit3A_250 = arith.constant 1 : i32
          %jit3A_251 = arith.constant 0 : i32
          %select_n3A_252 = arith.select %ne3A_246, %jit3A_250, %jit3A_251 : i32
          %add3A_253 = arith.addi %add3A_242, %select_n3A_252 : i32
        } else {
        }
      } else {
      }
      %jit3A_116 = arith.constant 1 : i32
      %jit3A_117 = arith.constant 0 : i32
      %select_n3A_118 = arith.select %and3A_114, %jit3A_116, %jit3A_117 : i32
      %add3A_119 = arith.addi %shift_right_arithmetic3A_107, %select_n3A_118 : i32
      %select_n3A_120 = arith.select %gt3A_110, %add3A_119, %scan3A_99 : i32
      scf.yield %select_n3A_120 : i32
    }
    %scan3A_88 = arith.constant 16 : i32
    %while3A = arith.constant 0 : i32
    %while3A_89 = arith.constant 0 : i32
    %while3A_90 = arith.subi %scan3A_87, %while3A_89 : i32
    %while3A_91 = arith.addi %while3A_89, %while3A_90 : i32
    %while3A_92 = arith.constant 1 : i32
    %while3A_93 = arith.divsi %while3A_90, %while3A_92 : i32
    %while3A_94 = arith.muli %while3A_93, %while3A_92 : i32
    %while3A_95 = arith.addi %while3A_89, %while3A_94 : i32
    %while3A_96 = arith.constant 1 : i32
    scf.for %while3A_98 = %while3A_89 to %while3A_95 step %while3A_96  : i32 {
      %dma_wait3A_99 = arith.constant 0 : i32
      %dma_wait3A_100 = tpu.memref_slice %arg4[%dma_wait3A_99] : memref<12800000xf32, #tpu.memory_space<hbm>> -> memref<2048xf32, #tpu.memory_space<hbm>>
      %dma_wait3A_101 = arith.constant 0 : i32
      %dma_wait3A_102 = tpu.memref_slice %arg4[%dma_wait3A_101] : memref<12800000xf32, #tpu.memory_space<hbm>> -> memref<2048xf32, #tpu.memory_space<hbm>>
      tpu.wait_dma2 semaphore(%arg9 : memref<!tpu.dma_semaphore, #tpu.memory_space<semaphore_mem>>) src(%arg7 : memref<2048xf32, #tpu.memory_space<vmem>>) dst(%dma_wait3A_102 : memref<2048xf32, #tpu.memory_space<hbm>>)
    }
    %while3A_97 = arith.constant 1 : i32
    scf.for %while3A_98 = %while3A_95 to %while3A_91 step %while3A_97  : i32 {
      %dma_wait3A_99 = arith.constant 0 : i32
      %dma_wait3A_100 = tpu.memref_slice %arg4[%dma_wait3A_99] : memref<12800000xf32, #tpu.memory_space<hbm>> -> memref<2048xf32, #tpu.memory_space<hbm>>
      %dma_wait3A_101 = arith.constant 0 : i32
      %dma_wait3A_102 = tpu.memref_slice %arg4[%dma_wait3A_101] : memref<12800000xf32, #tpu.memory_space<hbm>> -> memref<2048xf32, #tpu.memory_space<hbm>>
      tpu.wait_dma2 semaphore(%arg9 : memref<!tpu.dma_semaphore, #tpu.memory_space<semaphore_mem>>) src(%arg7 : memref<2048xf32, #tpu.memory_space<vmem>>) dst(%dma_wait3A_102 : memref<2048xf32, #tpu.memory_space<hbm>>)
    }
    return
  }
}

</mosaic_0001>

<sc_bundles>
// kernel: kernel.3.cloned.1.call-start
scs
__scs_entry_jumppad:
0x0: {  	(pc) =	sbr.rel $0x88, $3  }
0x1: {  	(tag) =	ssettag $0x0;
	lr =	simm.s32 $0x1  }
0x2: {  	[smem:$0x3F9F] =	sst lr;
	_ =	strace $0xD0000000  }
0x3: {  	_ = 	snop  }
0x4: {  	_ = 	snop  }
0x5: {  	_ = 	snop  }
0x6: {  	_ = 	snop  }
0x7: {  	_ = 	snop  }
__scs_overlays_trampoline_lowered:
0x8: {  	[smem:$0x3FAE] =	sst s0  }
0x9: {  	[smem:$0x3FAF] =	sst s1  }
0xa: {  	[smem:$0x3FB0] =	sst s2  }
0xb: {  	[smem:$0x3FB1] =	sst s3  }
0xc: {  	[smem:$0x3FB2] =	sst s4  }
0xd: {  	[smem:$0x3FB3] =	sst s5  }
0xe: {  	[smem:$0x3FB4] =	sst s6  }
0xf: {  	[smem:$0x3FB5] =	sst s7  }
0x10: {  	[smem:$0x3FB6] =	sst s8  }
0x11: {  	[smem:$0x3FB7] =	sst s9;
	s0 =	simm.s32 @!p0 $0x0  }
0x12: {  	s1 =	sld [smem:$0x3F9D];
	s0 =	simm.s32 @p0 $0x1  }
0x13: {  	[smem:$0x3FB8] =	sst s0;
	s0 =	simm.s32 @!p1 $0x0  }
0x14: {  	s2 =	sld [smem:$0x3F9C];
	s0 =	simm.s32 @p1 $0x1  }
0x15: {  	[smem:$0x3FB9] =	sst s0;
	s0 =	simm.s32 @!p2 $0x0  }
0x16: {  	s3 =	sld [smem:$0x3FDB];
	s0 =	simm.s32 @p2 $0x1  }
0x17: {  	s4 =	simm.s32 $0x1BF5;
	[smem:$0x3FBB] =	sst s0  }
0x18: {  	s0 =	sld [smem:$0x3F9E];
	_ =	swait.ge [sflag:s4], $0x0  }
0x19: {  	s7 =	sld [smem:$0x3F9F]  }
0x1a: {  	s8 =	sadd.s32 $0xFFFFE003, lr  }
0x1b: {  	s9 =	sadd.s32 $0xFFFFFEF7, lr;
	s5 =	simm.s32 $0xFFFFFFFF;
	p2 =	slt.u32 s8, $0xFFFFF086  }
0x1c: {  	p1 =	slt.u32 s9, $0xF7A;
	s5 =	simm.s32 @!p2 $0x0  }
0x1d: {  	s5 =	simm.s32 @p1 $0x1;
	p0 =	seq.s32 s7, s2  }
0x1e: {  	s7 =	smul.u32 @!p0 $0xF7A, s2;
	p2 =	seq.s32 @!p0 s5, $0x0  }
0x1f: {  	s9 =	smul.u32 $0xF7A, s1;
	s8 =	simm.s32 @!p0 $0x1BF5;
	p2 =	por !p2, p0  }
0x20: {  	[sflag:s8] =	ssyncset.s32 @!p0 $0xFFFFF086;
	s6 =	sadd.s32 @!p0 s3, s7;
	s7 =	simm.s32 @!p0 $0x108  }
0x21: {  	s3 =	sadd.s32 s3, s9;
	s6 =	sadd.s32 @!p0 $0x88, s6;
	s7 =	simm.s32 @p2 $0x1082  }
0x22: {  	[simem:s7], [sflag:s8] =	dma.local @!p0 [hbm:s6], $0xF7A  }
0x23: {  	s9 =	sor.u32 $0xD0000000, s2;
	s6 =	simm.s32 $0x108;
	_ =	swait.ge @!p0 [sflag:s8], $0x0  }
0x24: {  	s3 =	sadd.s32 $0x88, s3;
	s6 =	simm.s32 @!p1 $0x1082;
	[sflag:s4] =	ssyncset.s32 $0xFFFFF086  }
0x25: {  	[simem:s6], [sflag:s4] =	dma.local [hbm:s3], $0xF7A  }
0x26: {  	[smem:$0x3F9F] =	sst s1;
	(tag) =	ssettag s2;
	_ =	strace s9  }
0x27: {  	s1 =	sld [smem:$0x3FAF]  }
0x28: {  	s2 =	sld [smem:$0x3FB0]  }
0x29: {  	s4 =	sld [smem:$0x3FB2]  }
0x2a: {  	p0 =	seq.s32 s5, $0x0;
	s5 =	sld [smem:$0x3FB3]  }
0x2b: {  	s6 =	sld [smem:$0x3FB4]  }
0x2c: {  	s7 =	sld [smem:$0x3FB5]  }
0x2d: {  	s3 =	simm.s32 $0x108;
	s8 =	sld [smem:$0x3FB6]  }
0x2e: {  	s3 =	simm.s32 @!p0 $0x1082;
	s9 =	sld [smem:$0x3FB7]  }
0x2f: {  	lr =	sadd.s32 s0, s3;
	s0 =	sld [smem:$0x3FAE]  }
0x30: {  	s3 =	sld [smem:$0x3FB1]  }
0x31: {  	[smem:$0x3FBA] =	sst s10  }
0x32: {  	s10 =	sld [smem:$0x3FB8];
	_ =	sdelay $0x3  }
0x33: {  	p0 =	seq.s32 s10, $0x1;
	s10 =	sld [smem:$0x3FBA];
	_ =	sdelay $0x3  }
0x34: {  	[smem:$0x3FBA] =	sst s10  }
0x35: {  	s10 =	sld [smem:$0x3FB9];
	_ =	sdelay $0x3  }
0x36: {  	p1 =	seq.s32 s10, $0x1;
	s10 =	sld [smem:$0x3FBA];
	_ =	sdelay $0x3  }
0x37: {  	[smem:$0x3FBA] =	sst s10  }
0x38: {  	s10 =	sld [smem:$0x3FBB]  }
0x39: {  	_ = 	snop;
	(pc) =	sbr.ind lr, $3  }
0x3a: {  	_ = 	snop  }
0x3b: {  	_ = 	snop  }
0x3c: {  	p2 =	seq.s32 s10, $0x1;
	s10 =	sld [smem:$0x3FBA]  }
0x3d: {  	_ =	shalt  }
0x3e: {  	_ =	shalt  }
0x3f: {  	_ =	shalt  }
0x40: {  	_ =	shalt  }
0x41: {  	_ =	shalt  }
0x42: {  	_ =	shalt  }
0x43: {  	_ =	shalt  }
0x44: {  	_ =	shalt  }
0x45: {  	_ =	shalt  }
0x46: {  	_ =	shalt  }
0x47: {  	_ =	shalt  }
0x48: {  	_ =	shalt  }
0x49: {  	_ =	shalt  }
0x4a: {  	_ =	shalt  }
0x4b: {  	_ =	shalt  }
0x4c: {  	_ =	shalt  }
0x4d: {  	_ =	shalt  }
0x4e: {  	_ =	shalt  }
0x4f: {  	_ =	shalt  }
0x50: {  	_ =	shalt  }
0x51: {  	_ =	shalt  }
0x52: {  	_ =	shalt  }
0x53: {  	_ =	shalt  }
0x54: {  	_ =	shalt  }
0x55: {  	_ =	shalt  }
0x56: {  	_ =	shalt  }
0x57: {  	_ =	shalt  }
0x58: {  	_ =	shalt  }
0x59: {  	_ =	shalt  }
0x5a: {  	_ =	shalt  }
0x5b: {  	_ =	shalt  }
0x5c: {  	_ =	shalt  }
0x5d: {  	_ =	shalt  }
0x5e: {  	_ =	shalt  }
0x5f: {  	_ =	shalt  }
0x60: {  	_ =	shalt  }
0x61: {  	_ =	shalt  }
0x62: {  	_ =	shalt  }
0x63: {  	_ =	shalt  }
0x64: {  	_ =	shalt  }
0x65: {  	_ =	shalt  }
0x66: {  	_ =	shalt  }
0x67: {  	_ =	shalt  }
0x68: {  	_ =	shalt  }
0x69: {  	_ =	shalt  }
0x6a: {  	_ =	shalt  }
0x6b: {  	_ =	shalt  }
0x6c: {  	_ =	shalt  }
0x6d: {  	_ =	shalt  }
0x6e: {  	_ =	shalt  }
0x6f: {  	_ =	shalt  }
0x70: {  	_ =	shalt  }
0x71: {  	_ =	shalt  }
0x72: {  	_ =	shalt  }
0x73: {  	_ =	shalt  }
0x74: {  	_ =	shalt  }
0x75: {  	_ =	shalt  }
0x76: {  	_ =	shalt  }
0x77: {  	_ =	shalt  }
0x78: {  	_ =	shalt  }
0x79: {  	_ =	shalt  }
0x7a: {  	_ =	shalt  }
0x7b: {  	_ =	shalt  }
0x7c: {  	_ =	shalt  }
0x7d: {  	_ =	shalt  }
0x7e: {  	_ =	shalt  }
0x7f: {  	_ =	shalt  }
0x80: {  	_ =	shalt  }
0x81: {  	_ =	shalt  }
0x82: {  	_ =	shalt  }
0x83: {  	_ =	shalt  }
0x84: {  	_ =	shalt  }
0x85: {  	_ =	shalt  }
0x86: {  	_ =	shalt  }
0x87: {  	_ =	shalt  }
.Lfunc_end0:
.L_simem_size_0:
called_computation_lowered:
.L_overlay_start_0:
0x88: {  	s2 =	sld [smem:$0x3FD9]  }
0x89: {  	s3 =	sld [smem:$0x3FFE];
	_ =	sdelay $0x1  }
0x8a: {  	s1 =	srdreg.scid  }
0x8b: {  	s0 =	sand.u32 $0x1, s1  }
0x8c: {  	s18 =	sshll.u32 s0, $0xA;
	s2 =	sadd.s32 s3, s2  }
0x8d: {  	s2 =	sadd.s32 s2, s18  }
0x8e: {  	[smem:$0x3FC6] =	sst s2  }
0x8f: {  	_ = 	snop  }
0x90: {  	s2 =	sld [smem:$0x3FC9]  }
0x91: {  	s19 =	sld [smem:$0x3FC8]  }
0x92: {  	s4 =	sld [smem:$0x3FD0];
	(tm) =	ssettm $0x1  }
0x93: {  	s5 =	sld [smem:$0x3FFB];
	_ =	sdelay $0x3  }
0x94: {  	_ =	strace s5  }
0x95: {  	s5 =	sld [smem:$0x3FFC];
	_ =	sdelay $0x3  }
0x96: {  	_ =	strace s5  }
0x97: {  	s5 =	sld [smem:$0x3FFD];
	_ =	sdelay $0x3  }
0x98: {  	_ =	strace s5  }
0x99: {  	_ =	strace $0x8FFFFFFF  }
0x9a: {  	s20 =	sld [smem:$0x3FDB];
	_ =	sdelay $0x1  }
0x9b: {  	s6 =	simm.s32 $_scs_section_size  }
0x9c: {  	s7 =	simm.s32 $_size__tile_overlayer_lowered;
	s8 =	simm.s32 $_tile_overlayer_lowered  }
0x9d: {  	s23 =	simm.s32 $0x1BFF;
	s22 =	sshll.u32 s8, $0x1;
	s5 =	sadd.s32 s6, s20  }
0x9e: {  	s9 =	simm.s32 $0x0;
	s21 =	sshll.u32 s7, $0x1;
	s7 =	sadd.s32 s22, s5  }
0x9f: {  	[timem:s9], [sflag:s23] =	dma.local [hbm:s7], s21  }
0xa0: {  	_ =	swait.ge [sflag:s23], s21  }
0xa1: {  	s6 =	ssub.s32 $0x0, s21;
	[sflag:s23] =	ssyncset.done $0x0  }
0xa2: {  	[sflag:s23] =	ssyncadd.s32 s6;
	_ =	sdelay $0x1  }
0xa3: {  	s24 =	simm.s32 $0x1B8B  }
0xa4: {  	_ =	swait.ge [sflag:s24], $0x1  }
0xa5: {  	[sflag:s24] =	ssyncset.done $0x0  }
0xa6: {  	s25 =	simm.s32 $0x1B8E;
	[sflag:s24] =	ssyncadd.s32 $0xFFFFFFFF  }
0xa7: {  	s26 =	simm.s32 $execute0_lowered;
	[smem:$0x3FD2] =	sst s25  }
0xa8: {  	s6 =	sshll.u32 s26, $0x1;
	_ =	strace $0x80000046;
	[dreg:$0x1] =	wrdreg $0xFFFFFFFF  }
0xa9: {  	s28 =	simm.s32 $_size_execute0_lowered;
	s5 =	sadd.s32 s5, s6;
	[dreg:$0x0] =	wrdreg $0x0  }
0xaa: {  	s6 =	sshll.u32 s28, $0x1;
	[dreg:$0x2] =	wrdreg s5  }
0xab: {  	[dreg:$0x3] =	wrdreg s6  }
0xac: {  	[dreg:$0x4] =	wrdreg $0xC0  }
0xad: {  	_ =	task [dreg:s9], $0x5FFFF  }
0xae: {  	[dreg:$0x1] =	wrdreg $0xFFFFFFFF  }
0xaf: {  	[dreg:$0x0] =	wrdreg $0x60  }
0xb0: {  	[dreg:$0x2] =	wrdreg s2  }
0xb1: {  	[dreg:$0x3] =	wrdreg s19  }
0xb2: {  	[dreg:$0x4] =	wrdreg s4  }
0xb3: {  	[dreg:$0x5] =	wrdreg $0x9  }
0xb4: {  	_ =	task.clear_ibuf [dreg:s9], $0x6FFFF;
	_ =	strace $0x90000046  }
0xb5: {  	s29 =	simm.s32 $0x9;
	_ =	strace $0x80000048  }
0xb6: {  	_ =	swait.ge [sflag:s29], $0x1  }
0xb7: {  	[sflag:s29] =	ssyncadd.s32 $0xFFFFFFFF  }
0xb8: {  	_ =	strace $0x90000048  }
0xb9: {  	_ =	sfence  }
0xba: {  	s30 =	sld [smem:$0x0];
	_ =	sdelay $0x2  }
0xbb: {  	s31 =	sshll.u32 s1, $0xD;
	s1 =	sshrl.u32 s1, $0x2  }
0xbc: {  	s3 =	sand.u32 $0x4000, s31;
	s1 =	sadd.s32 s1, s30  }
0xbd: {  	s0 =	sor.u32 s3, s0;
	s1 =	sshll.u32 s1, $0x11  }
0xbe: {  	s0 =	sor.u32 s1, s0  }
0xbf: {  	s0 =	sadd.s32 $0x8F2B, s0  }
0xc0: {  	[sflag:s0] =	ssyncadd.remote.s32 $0x1  }
0xc1: {  	_ =	sfence.sel $0xFFFF  }
0xc2: {  	[dreg:$0x0] =	wrdreg $0xFFFFFFFF;
	(pc) =	sbr.abs _section_cstart, $3  }
0xc3: {  	[dreg:$0x1] =	wrdreg $0xFFFFFFFF  }
0xc4: {  	_ =	task.clear_ibuf [dreg:s9], $0x2FFFF;
	_ =	strace $0x9FFFFFFF  }
0xc5: {  	(tm) =	ssettm $0x7FFFFFFF  }
tec
execute0_lowered:
.L_overlay_start_1:
0x0: {  	(tag) =	ssettag $0x1  }
0x1: {  	s8 =	rddreg [dreg:$0x0]  }
0x2: {  	s1 =	srdreg.scid;
	s2 =	rddreg [dreg:$0x1]  }
0x3: {  	s0 =	stileid.u32;
	s3 =	rddreg [dreg:$0x2];
	s4 =	simm.s32 $0x0  }
0x4: {  	s12 =	simm.s32 $0xC80;
	s5 =	sand.u32 $0x1, s1;
	s28 =	sshll.u32 s0, $0x1  }
0x5: {  	s13 =	simm.s32 $0x1;
	s14 =	simm.s32 $0x1480;
	s6 =	sor.u32 s5, s28  }
0x6: {  	s15 =	simm.s32 $0x0;
	s1 =	rddreg [dreg:$0x3];
	s7 =	smul.u32 $0xC35, s6  }
0x7: {  	[smem:$0x7FF] =	sst s4;
	s9 =	ssub.s32 $0x2, s5;
	s6 =	smul.u32 $0x186A, s6  }
.Ltmp0:
0x8: {  	_ =	strace $0x80000047;
	s29 =	sshrl.u32 s9, $0x1;
	(pc) =	sbr.rel .LBB2_1-.Ltmp0, $4  }
0x9: {  	s11 =	ssub.s32 s9, s29;
	s5 =	sand.u32 $0x1FFF0, s7;
	s6 =	sadd.s32 $0x186A, s6  }
0xa: {  	s11 =	smax.u32 s11, $0x1;
	s10 =	sshrl.u32 s6, $0x1;
	s6 =	smin.u32 s5, $0x17A60  }
0xb: {  	s7 =	sand.u32 $0x3FFF0, s10;
	s30 =	sshrl.u32 s6, $0x3;
	s31 =	sxor.u32 $0xFFFFFFFF, s6  }
0xc: {  	s9 =	ssub.s32 s5, s6;
	s8 =	sadd.s32 s8, s30;
	s10 =	sadd.s32 s31, s7  }
.LBB2_27:
0xd: {  	[sflag:s13] =	ssyncadd.s32 $0xFFFFF800  }
.LBB2_28:
0xe: {  	s15 =	sadd.s32 $0x1, s15  }
0xf: {  	p0 =	sne.s32 s15, s11  }
.Ltmp1:
0x10: {  	_ = 	snop;
	(pc) =	sbr.rel @!p0 .LBB2_29-.Ltmp1, $1  }
0x11: {  	_ =	sdelay $0x3  }
.LBB2_1:
0x12: {  	[tilespmem:s12], [sflag:$0x1] =	stream.linear.gather [hbm4b:s2+s4], $0x800, $0x38;
	[tilespmem:$0x1C80] =	vst v63  }
0x13: {  	_ = 	snop  }
0x14: {  	[tilespmem:s4], [sflag:$0x1] =	stream.linear.gather [hbm4b:s8+s4], $0xC40, $0x38;
	[tilespmem:$0x1C80] =	vst v63  }
0x15: {  	_ =	swait.ge [sflag:s13], $0x800  }
0x16: {  	[sflag:s13] =	ssyncset.done $0x0  }
0x17: {  	[sflag:s13] =	ssyncadd.s32 $0xFFFFF800  }
0x18: {  	_ =	swait.ge [sflag:s13], $0xC40  }
0x19: {  	[sflag:s13] =	ssyncset.done $0x0  }
0x1a: {  	[sflag:s13] =	ssyncadd.s32 $0xFFFFF3C0  }
0x1b: {  	v0 =	vld [tilespmem:s9+$0x0]  }
0x1c: {  	v1 =	vld [tilespmem:s10+$0x0];
	_ =	sdelay $0x3  }
0x1d: {  	(v2sf) =	vpush v0, $0x0  }
0x1e: {  	(v2sf) =	vpush v1, $0x0;
	_ =	sdelay $0xa  }
.Ltmp2:
0x1f: {  	_ = 	snop;
	(pc) =	sbr.rel .LBB2_2-.Ltmp2, $3  }
0x20: {  	_ =	sdelay $0x1  }
0x21: {  	s16 =	spop (v2sf)  }
0x22: {  	s18 =	simm.s32 $0x0;
	s17 =	spop (v2sf)  }
.LBB2_6:
0x23: {  	p0 =	sgt.s32 s18, s16;
	s20 =	smov.u32 s5  }
0x24: {  	s20 =	smov.u32 @p0 s7  }
.LBB2_7:
0x25: {  	[smem:s18] =	sst s20;
	s18 =	sadd.s32 $0x1, s18  }
0x26: {  	p0 =	sne.s32 s18, $0x10  }
.Ltmp3:
0x27: {  	_ = 	snop;
	(pc) =	sbr.rel @!p0 .LBB2_8-.Ltmp3, $1  }
0x28: {  	_ =	sdelay $0x3  }
.LBB2_2:
0x29: {  	p0 =	sle.s32 s18, s16  }
0x2a: {  	p1 =	sgt.s32 @!p0 s18, s17  }
0x2b: {  	p0 =	por p0, p1  }
.Ltmp4:
0x2c: {  	_ = 	snop;
	(pc) =	sbr.rel @p0 .LBB2_6-.Ltmp4, $2  }
0x2d: {  	_ =	sdelay $0x2  }
0x2e: {  	s19 =	simm.s32 $0xC  }
0x2f: {  	s20 =	sadd.s32 s5, s7  }
0x30: {  	s21 =	sand.u32 $0x1, s20  }
0x31: {  	p0 =	slt.s32 s20, $0x1;
	p1 =	seq.s32 s21, $0x1  }
0x32: {  	s30 =	sshrl.u32 s20, $0x1F;
	p0 =	por !p0, !p1  }
0x33: {  	s20 =	sadd.s32 s30, s20;
	s21 =	simm.s32 $0x1;
	p0 =	por !p0, !p0  }
0x34: {  	s20 =	sshra.s32 s20, $0x1;
	s21 =	simm.s32 @!p0 $0x0  }
0x35: {  	s20 =	ssub.s32 s20, s21  }
0x36: {  	s21 =	ssub.s32 s20, s6  }
0x37: {  	v0 =	vld [tilespmem:s21+$0x0];
	_ =	sdelay $0x4  }
0x38: {  	(v2sf) =	vpush v0, $0x0;
	_ =	sdelay $0xd  }
0x39: {  	s19 =	sadd.s32 $0xFFFFFFFF, s19;
	s22 =	smov.u32 s5;
	s23 =	smov.u32 s7  }
0x3a: {  	p1 =	slt.s32 s5, s7;
	s24 =	sadd.s32 $0x1, s20;
	s31 =	spop (v2sf)  }
0x3b: {  	s21 =	smov.u32 s7;
	p0 =	slt.s32 s31, s18;
	p2 =	sge.s32 s31, s18  }
0x3c: {  	s22 =	smov.u32 @p0 s24;
	s23 =	smov.u32 @p2 s20;
	s20 =	smov.u32 s5  }
.LBB2_4:
0x3d: {  	p0 =	seq.s32 s19, $0x1;
	s20 =	smov.u32 @p1 s22;
	s21 =	smov.u32 @p1 s23  }
0x3e: {  	s19 =	sadd.s32 $0xFFFFFFFF, s19;
	s22 =	sadd.s32 s20, s21  }
0x3f: {  	s23 =	sshrl.u32 s22, $0x1F;
	s24 =	sand.u32 $0x1, s22  }
0x40: {  	p1 =	slt.s32 s22, $0x1;
	s23 =	sadd.s32 s23, s22;
	p2 =	seq.s32 s24, $0x1  }
0x41: {  	p1 =	por !p1, !p2  }
0x42: {  	s22 =	sshra.s32 s23, $0x1;
	s23 =	simm.s32 $0x1;
	p1 =	por !p1, !p1  }
0x43: {  	s23 =	simm.s32 @!p1 $0x0  }
0x44: {  	s24 =	ssub.s32 s22, s23  }
0x45: {  	s22 =	ssub.s32 s24, s6  }
0x46: {  	v0 =	vld [tilespmem:s22+$0x0];
	_ =	sdelay $0x4  }
0x47: {  	(v2sf) =	vpush v0, $0x0;
	_ =	sdelay $0xd  }
.Ltmp5:
0x48: {  	(pc) =	sbr.rel @!p0 .LBB2_4-.Ltmp5, $4  }
0x49: {  	s23 =	sadd.s32 $0x1, s24;
	s22 =	spop (v2sf)  }
0x4a: {  	p2 =	slt.s32 s22, s18;
	p3 =	sge.s32 s22, s18;
	s22 =	smov.u32 s20  }
0x4b: {  	s22 =	smov.u32 @p2 s23;
	s23 =	smov.u32 s21  }
0x4c: {  	p1 =	slt.s32 s20, s21;
	s23 =	smov.u32 @p3 s24  }
.Ltmp6:
0x4d: {  	(pc) =	sbr.rel .LBB2_7-.Ltmp6, $2  }
0x4e: {  	_ =	sdelay $0x2  }
0x4f: {  	s20 =	smov.u32 @p1 s22  }
.LBB2_8:
.Ltmp7:
0x50: {  	(pc) =	sbr.rel .LBB2_9-.Ltmp7, $2  }
0x51: {  	_ =	sdelay $0x2  }
0x52: {  	[smem:$0x10] =	sst s7;
	s16 =	simm.s32 $0x0;
	s17 =	simm.s32 $0x0  }
.LBB2_22:
0x53: {  	p1 =	sgt.u32 s18, $0xF  }
0x54: {  	s21 =	sand.u32 @!p1 $0x8, s18  }
0x55: {  	p2 =	seq.s32 @!p1 s21, $0x0  }
0x56: {  	p3 =	por p2, p1  }
0x57: {  	s22 =	sshll.u32 @!p3 s20, $0x4  }
0x58: {  	s22 =	sand.u32 @!p3 $0x1FFFFFF0, s22  }
0x59: {  	s23 =	simm.s32 @!p3 $0x0;
	s24 =	simm.s32 @!p3 $0x1480;
	s22 =	sadd.s32 @!p3 s3, s22  }
0x5a: {  	[hbm4b:s22+s23] =	stream.linear.scatter @!p3 [tilespmem:s24], [sflag:$0x2], $0x400, $0x38;
	[tilespmem:$0x1C80] =	vst v63  }
0x5b: {  	s22 =	sand.u32 @!p1 $0x4, s18  }
0x5c: {  	s23 =	simm.s32 @!p3 $0x2;
	p2 =	seq.s32 @!p1 s22, $0x0  }
0x5d: {  	s20 =	sadd.s32 @!p1 s20, s21;
	_ =	swait.ge @!p3 [sflag:s23], $0x400;
	p2 =	por p2, p1  }
0x5e: {  	[sflag:s23] =	ssyncset.done @!p3 $0x0;
	s21 =	sshll.u32 @!p2 s20, $0x4  }
0x5f: {  	[sflag:s23] =	ssyncadd.s32 @!p3 $0xFFFFFC00;
	s21 =	sand.u32 @!p2 $0x1FFFFFF0, s21  }
0x60: {  	s23 =	simm.s32 @!p2 $0x0;
	s24 =	simm.s32 @!p2 $0x1480;
	s21 =	sadd.s32 @!p2 s3, s21  }
0x61: {  	[hbm4b:s21+s23] =	stream.linear.scatter @!p2 [tilespmem:s24], [sflag:$0x2], $0x200, $0x38;
	[tilespmem:$0x1C80] =	vst v63  }
0x62: {  	s21 =	sand.u32 @!p1 $0x2, s18  }
0x63: {  	s23 =	simm.s32 @!p2 $0x2;
	p3 =	seq.s32 @!p1 s21, $0x0  }
0x64: {  	s20 =	sadd.s32 @!p1 s22, s20;
	_ =	swait.ge @!p2 [sflag:s23], $0x200;
	p3 =	por p3, p1  }
0x65: {  	[sflag:s23] =	ssyncset.done @!p2 $0x0;
	s22 =	sshll.u32 @!p3 s20, $0x4  }
0x66: {  	[sflag:s23] =	ssyncadd.s32 @!p2 $0xFFFFFE00;
	s22 =	sand.u32 @!p3 $0x1FFFFFF0, s22  }
0x67: {  	s23 =	simm.s32 @!p3 $0x0;
	s24 =	simm.s32 @!p3 $0x1480;
	s22 =	sadd.s32 @!p3 s3, s22  }
0x68: {  	[hbm4b:s22+s23] =	stream.linear.scatter @!p3 [tilespmem:s24], [sflag:$0x2], $0x100, $0x38;
	[tilespmem:$0x1C80] =	vst v63  }
0x69: {  	s22 =	sand.u32 @!p1 $0x1, s18  }
0x6a: {  	p2 =	seq.s32 @!p1 s22, $0x0  }
0x6b: {  	p1 =	por p2, p1  }
0x6c: {  	s22 =	simm.s32 @!p3 $0x2;
	s20 =	sadd.s32 @!p1 s21, s20  }
0x6d: {  	_ =	swait.ge @!p3 [sflag:s22], $0x100;
	s20 =	sshll.u32 @!p1 s20, $0x4  }
0x6e: {  	[sflag:s22] =	ssyncset.done @!p3 $0x0;
	s21 =	simm.s32 @!p1 $0x0;
	s20 =	sand.u32 @!p1 $0x1FFFFFF0, s20  }
0x6f: {  	[sflag:s22] =	ssyncadd.s32 @!p3 $0xFFFFFF00;
	s22 =	simm.s32 @!p1 $0x1480;
	s20 =	sadd.s32 @!p1 s3, s20  }
0x70: {  	[hbm4b:s20+s21] =	stream.linear.scatter @!p1 [tilespmem:s22], [sflag:$0x2], $0x80, $0x38;
	[tilespmem:$0x1C80] =	vst v63  }
0x71: {  	s20 =	simm.s32 @!p1 $0x2  }
0x72: {  	_ =	swait.ge @!p1 [sflag:s20], $0x80  }
0x73: {  	[sflag:s20] =	ssyncset.done @!p1 $0x0  }
0x74: {  	[sflag:s20] =	ssyncadd.s32 @!p1 $0xFFFFFF80  }
.LBB2_23:
0x75: {  	s17 =	sadd.s32 $0x1, s17  }
0x76: {  	p1 =	seq.s32 s17, $0x10  }
.Ltmp8:
0x77: {  	_ = 	snop;
	(pc) =	sbr.rel @p1 .LBB2_24-.Ltmp8, $4  }
0x78: {  	s20 =	simm.s32 $0x1  }
0x79: {  	s20 =	simm.s32 @!p0 $0x0  }
0x7a: {  	p0 =	sgt.s32 s18, $0x0;
	s18 =	sadd.s32 s20, s19  }
0x7b: {  	s16 =	smov.u32 @p0 s18  }
.LBB2_9:
0x7c: {  	s20 =	sld [smem:s17+$0x0]  }
0x7d: {  	s21 =	sld [smem:s17+$0x1];
	_ =	sdelay $0x2  }
0x7e: {  	s18 =	ssub.s32 s21, s20  }
0x7f: {  	p2 =	slt.s32 s18, $0x1  }
.Ltmp9:
0x80: {  	_ = 	snop;
	(pc) =	sbr.rel @p2 .LBB2_23-.Ltmp9, $4  }
0x81: {  	s19 =	sand.u32 $0xF, s18  }
0x82: {  	p1 =	sgt.s32 s18, $0xF;
	p0 =	sne.s32 s19, $0x0  }
0x83: {  	p0 =	por !p1, !p0  }
0x84: {  	s19 =	sshra.s32 s18, $0x4;
	p0 =	por !p0, !p0  }
0x85: {  	p1 =	slt.s32 s16, $0x1  }
.Ltmp10:
0x86: {  	_ = 	snop;
	(pc) =	sbr.rel @p1 .LBB2_14-.Ltmp10, $1  }
0x87: {  	_ =	sdelay $0x3  }
0x88: {  	p1 =	sne.s32 s16, $0x1  }
.Ltmp11:
0x89: {  	_ = 	snop;
	(pc) =	sbr.rel @!p1 .LBB2_13-.Ltmp11, $3  }
0x8a: {  	_ =	sdelay $0x1  }
0x8b: {  	_ =	swait.ge [sflag:s13], $0x800  }
0x8c: {  	s22 =	sadd.s32 $0xFFFFFFFF, s16;
	[sflag:s13] =	ssyncset.done $0x0  }
.LBB2_12:
0x8d: {  	p1 =	sne.s32 s22, $0x1;
	s22 =	sadd.s32 $0xFFFFFFFF, s22;
	[sflag:s13] =	ssyncadd.s32 $0xFFFFF800  }
.Ltmp12:
0x8e: {  	(pc) =	sbr.rel @p1 .LBB2_12-.Ltmp12, $3  }
0x8f: {  	_ =	sdelay $0x1  }
0x90: {  	_ =	swait.ge [sflag:s13], $0x800  }
0x91: {  	[sflag:s13] =	ssyncset.done $0x0  }
.LBB2_13:
0x92: {  	[sflag:s13] =	ssyncadd.s32 $0xFFFFF800  }
.LBB2_14:
0x93: {  	s22 =	sshll.u32 s17, $0x7  }
0x94: {  	s22 =	sand.u32 $0x3FFFFF80, s22  }
0x95: {  	v0 =	vld [tilespmem:s22+$0xC80]  }
0x96: {  	v1 =	vld [tilespmem:s22+$0xC90]  }
0x97: {  	v2 =	vld [tilespmem:s22+$0xCA0]  }
0x98: {  	v7 =	vld [tilespmem:s22+$0xCF0]  }
0x99: {  	v3 =	vld [tilespmem:s22+$0xCB0]  }
0x9a: {  	v4 =	vld [tilespmem:s22+$0xCC0]  }
0x9b: {  	v5 =	vld [tilespmem:s22+$0xCD0]  }
0x9c: {  	s23 =	simm.s32 $0x200;
	v6 =	vld [tilespmem:s22+$0xCE0];
	s22 =	simm.s32 $0x0  }
.LBB2_15:
0x9d: {  	p1 =	seq.s32 s23, $0x1E00;
	[tilespmem:s22+$0x14F0] =	vst v7  }
0x9e: {  	[tilespmem:s22+$0x1480] =	vst v0  }
0x9f: {  	[tilespmem:s22+$0x1490] =	vst v1  }
.Ltmp13:
0xa0: {  	[tilespmem:s22+$0x14A0] =	vst v2;
	(pc) =	sbr.rel @!p1 .LBB2_15-.Ltmp13, $4  }
0xa1: {  	[tilespmem:s22+$0x14B0] =	vst v3  }
0xa2: {  	[tilespmem:s22+$0x14C0] =	vst v4  }
0xa3: {  	[tilespmem:s22+$0x14D0] =	vst v5  }
0xa4: {  	[tilespmem:s22+$0x14E0] =	vst v6;
	s22 =	sshra.s32 s23, $0x2;
	s23 =	sadd.s32 $0x200, s23  }
0xa5: {  	[tilespmem:s22+$0x14F0] =	vst v7  }
0xa6: {  	[tilespmem:s22+$0x1480] =	vst v0  }
0xa7: {  	[tilespmem:s22+$0x1490] =	vst v1;
	p1 =	slt.s32 s19, $0x1  }
.Ltmp14:
0xa8: {  	[tilespmem:s22+$0x14A0] =	vst v2;
	(pc) =	sbr.rel @p1 .LBB2_20-.Ltmp14, $4  }
0xa9: {  	[tilespmem:s22+$0x14B0] =	vst v3  }
0xaa: {  	[tilespmem:s22+$0x14C0] =	vst v4  }
0xab: {  	[tilespmem:s22+$0x14D0] =	vst v5  }
0xac: {  	[tilespmem:s22+$0x14E0] =	vst v6  }
0xad: {  	p1 =	sne.s32 s19, $0x1  }
.Ltmp15:
0xae: {  	_ = 	snop;
	(pc) =	sbr.rel @!p1 .LBB2_19-.Ltmp15, $4  }
0xaf: {  	_ = 	snop  }
0xb0: {  	s23 =	sshll.u32 s20, $0x7  }
0xb1: {  	s24 =	sshrl.u32 s23, $0x3  }
0xb2: {  	s22 =	sadd.s32 $0xFFFFFFFF, s19;
	s23 =	sadd.s32 $0x800, s23;
	s24 =	sadd.s32 s3, s24  }
.LBB2_18:
0xb3: {  	[hbm4b:s24+s4] =	stream.linear.scatter [tilespmem:s14], [sflag:$0x1], $0x800, $0x38;
	[tilespmem:$0x1C80] =	vst v63  }
0xb4: {  	p1 =	sne.s32 s22, $0x1  }
.Ltmp16:
0xb5: {  	s22 =	sadd.s32 $0xFFFFFFFF, s22;
	(pc) =	sbr.rel @p1 .LBB2_18-.Ltmp16, $3  }
0xb6: {  	_ =	sdelay $0x1  }
0xb7: {  	s24 =	sshrl.u32 s23, $0x3  }
0xb8: {  	s23 =	sadd.s32 $0x800, s23;
	s24 =	sadd.s32 s3, s24  }
.LBB2_19:
0xb9: {  	[hbm4b:s24+s4] =	stream.linear.scatter [tilespmem:s14], [sflag:$0x1], $0x800, $0x38;
	[tilespmem:$0x1C80] =	vst v63  }
.LBB2_20:
.Ltmp17:
0xba: {  	(pc) =	sbr.rel @!p0 .LBB2_22-.Ltmp17, $1  }
0xbb: {  	_ =	sdelay $0x3  }
.Ltmp18:
0xbc: {  	s20 =	sshll.u32 s21, $0x7;
	(pc) =	sbr.rel .LBB2_23-.Ltmp18, $4  }
0xbd: {  	s20 =	sadd.s32 $0xFFFFF800, s20  }
0xbe: {  	s20 =	sshrl.u32 s20, $0x3  }
0xbf: {  	s20 =	sadd.s32 s3, s20  }
0xc0: {  	[hbm4b:s20+s4] =	stream.linear.scatter [tilespmem:s14], [sflag:$0x1], $0x800, $0x38;
	[tilespmem:$0x1C80] =	vst v63  }
.LBB2_24:
0xc1: {  	p0 =	sgt.s32 s16, $0x0  }
.Ltmp19:
0xc2: {  	_ = 	snop;
	(pc) =	sbr.rel @!p0 .LBB2_28-.Ltmp19, $1  }
0xc3: {  	_ =	sdelay $0x3  }
0xc4: {  	p0 =	sne.s32 s16, $0x1  }
.Ltmp20:
0xc5: {  	_ = 	snop;
	(pc) =	sbr.rel @!p0 .LBB2_27-.Ltmp20, $3  }
0xc6: {  	_ =	sdelay $0x1  }
0xc7: {  	_ =	swait.ge [sflag:s13], $0x800  }
0xc8: {  	s16 =	sadd.s32 $0xFFFFFFFF, s16;
	[sflag:s13] =	ssyncset.done $0x0  }
.LBB2_26:
0xc9: {  	p0 =	sne.s32 s16, $0x1;
	s16 =	sadd.s32 $0xFFFFFFFF, s16;
	[sflag:s13] =	ssyncadd.s32 $0xFFFFF800  }
.Ltmp21:
0xca: {  	(pc) =	sbr.rel @p0 .LBB2_26-.Ltmp21, $3  }
0xcb: {  	_ =	sdelay $0x1  }
0xcc: {  	_ =	swait.ge [sflag:s13], $0x800  }
0xcd: {  	[sflag:s13] =	ssyncset.done $0x0  }
.Ltmp22:
0xce: {  	_ = 	snop;
	(pc) =	sbr.rel .LBB2_27-.Ltmp22, $1  }
0xcf: {  	_ =	sdelay $0x3  }
.LBB2_29:
0xd0: {  	_ =	sfence.sel $0x180000  }
0xd1: {  	[bflag:$0x0] =	sbarrier.arrive $0xFFFF  }
0xd2: {  	p0 =	sne.s32 s0, $0x0;
	_ =	strace $0x90000047  }
0xd3: {  	s0 =	sadd.s32 @!p0 $0x100000, s1;
	[bflag:$0x2] =	sbarrier.arrive $0xFFFF  }
0xd4: {  	[sflag:s0] =	ssyncadd.tile.s32 @!p0 $0x1;
	_ =	shalt  }
.Lfunc_end2:
_tile_overlayer_lowered:
.L_overlay_start_2:
0xd5: {  	(tag) =	ssettag $0x2  }
0xd6: {  	s0 =	rddreg [dreg:$0x0];
	s2 =	stileid.u32  }
0xd7: {  	s1 =	rddreg [dreg:$0x1];
	p0 =	sne.s32 s2, $0x0  }
0xd8: {  	s3 =	rddreg [dreg:$0x2];
	[bflag:$0x3] =	sbarrier.arrive $0xFFFF;
	s2 =	simm.s32 @!p0 $0x1C02  }
0xd9: {  	[timem:s3], [sflag:s2] =	dma.local @!p0 [hbm:s0], s1  }
0xda: {  	s0 =	simm.s32 @!p0 $0x2  }
0xdb: {  	_ =	swait.ge @!p0 [sflag:s0], s1  }
0xdc: {  	s1 =	ssub.s32 @!p0 $0x0, s1;
	[sflag:s0] =	ssyncset.done @!p0 $0x0  }
0xdd: {  	[sflag:s0] =	ssyncadd.s32 @!p0 s1  }
0xde: {  	[bflag:$0x3] =	sbarrier.arrive $0xFFFF  }
0xdf: {  	_ =	shalt  }

</sc_bundles>
